<compile_context>
chip_gen: v7x
topology: tpu7x:2x2x1
jax: 0.10.2.dev20260603
libtpu: 0.0.44.dev20260713+nightly
codegen_flags: <defaults>
</compile_context>

<pallas_src>
import functools

import jax
import jax.numpy as jnp
from jax import lax
from jax.experimental import pallas as pl
from jax.experimental.pallas import tpu as pltpu
from jax.experimental.pallas import tpu_sc as plsc

N_NODES = 100000
D = 512
M = 16384
NC = 2
NS = 16
L = 16
NW = NC * NS
RANGE = 3200
NPAD = NW * RANGE
ROWS_PER_W = M // NW
GCHUNK = 64
K = 64
MAXW = min(RANGE, M)
NCH = MAXW // K
IDC = M // L
SLOTP = RANGE

_mesh = plsc.VectorSubcoreMesh(core_axis_name="c", subcore_axis_name="s")


def _wid():
    return lax.axis_index("s") * NC + lax.axis_index("c")


@functools.partial(
    pl.kernel,
    out_type=jax.ShapeDtypeStruct((M, D), jnp.float32),
    mesh=_mesh,
    scratch_types=[
        pltpu.VMEM((GCHUNK,), jnp.int32),
        pltpu.VMEM((GCHUNK,), jnp.int32),
        pltpu.VMEM((GCHUNK, D), jnp.float32),
        pltpu.VMEM((GCHUNK, D), jnp.float32),
        pltpu.SemaphoreType.DMA,
        pltpu.SemaphoreType.DMA,
    ],
)
def _gather_rows(mem_hbm, ids_hbm, out_hbm, idx_v, idx2_v, rows_v, rows2_v,
                 sem, semb):
    base = _wid() * ROWS_PER_W

    def body(c, carry):
        off0 = base + (2 * c) * GCHUNK
        off1 = off0 + GCHUNK
        pltpu.sync_copy(ids_hbm.at[pl.ds(off0, GCHUNK)], idx_v)
        pltpu.sync_copy(ids_hbm.at[pl.ds(off1, GCHUNK)], idx2_v)
        g0 = pltpu.async_copy(mem_hbm.at[idx_v], rows_v, sem)
        g1 = pltpu.async_copy(mem_hbm.at[idx2_v], rows2_v, semb)
        g0.wait()
        s0 = pltpu.async_copy(rows_v, out_hbm.at[pl.ds(off0, GCHUNK)], sem)
        g1.wait()
        s1 = pltpu.async_copy(rows2_v, out_hbm.at[pl.ds(off1, GCHUNK)], semb)
        s0.wait()
        s1.wait()
        return carry

    lax.fori_loop(0, ROWS_PER_W // (2 * GCHUNK), body, 0)


BM = 1024


def _gru_body(x_ref, h_ref, wih_ref, whh_ref, bih_ref, bhh_ref, out_ref):
    x = x_ref[...]
    h = h_ref[...]
    dn = (((1,), (1,)), ((), ()))
    gi = lax.dot_general(x, wih_ref[...], dn,
                         preferred_element_type=jnp.float32) + bih_ref[...]
    gh = lax.dot_general(h, whh_ref[...], dn,
                         preferred_element_type=jnp.float32) + bhh_ref[...]
    r = jax.nn.sigmoid(gi[:, :D] + gh[:, :D])
    z = jax.nn.sigmoid(gi[:, D:2 * D] + gh[:, D:2 * D])
    n = jnp.tanh(gi[:, 2 * D:] + r * gh[:, 2 * D:])
    out_ref[...] = (1.0 - z) * n + z * h


_gru = pl.pallas_call(
    _gru_body,
    grid=(M // BM,),
    in_specs=[
        pl.BlockSpec((BM, D), lambda i: (i, 0)),
        pl.BlockSpec((BM, D), lambda i: (i, 0)),
        pl.BlockSpec((3 * D, D), lambda i: (0, 0)),
        pl.BlockSpec((3 * D, D), lambda i: (0, 0)),
        pl.BlockSpec((1, 3 * D), lambda i: (0, 0)),
        pl.BlockSpec((1, 3 * D), lambda i: (0, 0)),
    ],
    out_specs=pl.BlockSpec((BM, D), lambda i: (i, 0)),
    out_shape=jax.ShapeDtypeStruct((M, D), jnp.float32),
)


@functools.partial(
    pl.kernel,
    mesh=_mesh,
    compiler_params=pltpu.CompilerParams(needs_layout_passes=False),
    scratch_types=[
        pltpu.VMEM((M,), jnp.int32),
        pltpu.VMEM((SLOTP,), jnp.int32),
        pltpu.VMEM((NCH, K), jnp.int32),
        pltpu.VMEM((NCH, K), jnp.int32),
        pltpu.VMEM((K, D), jnp.float32),
        pltpu.VMEM((K, D), jnp.float32),
        pltpu.VMEM((M,), jnp.float32),
        pltpu.VMEM((RANGE,), jnp.float32),
        pltpu.SemaphoreType.DMA,
        pltpu.SemaphoreType.DMA,
    ],
)
def _scatter_rows(ids_hbm, newmem_hbm, ts_hbm, mem_hbm, lu_hbm,
                  ids_v, slot_v, plist_v, nlist_v, rows_v, rows2_v,
                  ts_v, lu_local, sem, semb):
    lo = _wid() * RANGE
    lane = lax.iota(jnp.int32, L)

    pltpu.sync_copy(ids_hbm, ids_v)
    pltpu.sync_copy(ts_hbm, ts_v)
    pltpu.sync_copy(lu_hbm.at[pl.ds(lo, RANGE)], lu_local)

    def init_b(c, carry):
        slot_v[pl.ds(c * L, L)] = jnp.full((L,), -1, jnp.int32)
        return carry

    lax.fori_loop(0, SLOTP // L, init_b, 0)

    nlane = jnp.minimum(lane + 1, L - 1)

    def p1(c, carry):
        for u in range(4):
            cc = c * 4 + u
            idx = ids_v[pl.ds(cc * L, L)]
            keym = idx * L + lane
            pos = cc * L + lane
            sk, sp = plsc.sort_key_val(keym, pos)
            sidx = lax.shift_right_logical(sk, 4)
            nxt = lax.gather(
                sk, nlane[:, None],
                lax.GatherDimensionNumbers(offset_dims=(),
                                           collapsed_slice_dims=(0,),
                                           start_index_map=(0,)),
                slice_sizes=(1,),
                mode=lax.GatherScatterMode.PROMISE_IN_BOUNDS)
            islast = (sidx != lax.shift_right_logical(nxt, 4)) | (lane == L - 1)
            mine = (sidx >= lo) & (sidx < lo + RANGE)
            m = islast & mine
            loc = jnp.where(m, sidx - lo, 0)
            plsc.store_scatter(slot_v, [loc], sp, mask=m)
        return carry

    lax.fori_loop(0, IDC // 4, p1, 0)

    def p2(c, cursor):
        sv = slot_v[pl.ds(c * L, L)]
        m = sv >= 0
        mi = m.astype(jnp.int32)
        offs = cursor + plsc.cumsum(mi) - 1
        o = jnp.where(m, offs, 0)
        node = lo + c * L + lane
        plsc.store_scatter(plist_v, [o // K, o % K], sv, mask=m)
        plsc.store_scatter(nlist_v, [o // K, o % K], node, mask=m)
        tsv = plsc.load_gather(ts_v, [jnp.where(m, sv, 0)])
        cur = lu_local[pl.ds(c * L, L)]
        lu_local[pl.ds(c * L, L)] = jnp.where(m, tsv, cur)
        return cursor + jnp.sum(mi)

    count = lax.fori_loop(0, SLOTP // L, p2, jnp.int32(0))

    padded = ((count + 2 * K - 1) // (2 * K)) * (2 * K)
    lastidx = jnp.maximum(count - 1, 0)
    li0 = jnp.broadcast_to(lastidx // K, (L,))
    li1 = jnp.broadcast_to(lastidx % K, (L,))
    lastp = plsc.load_gather(plist_v, [li0, li1])
    lastn = plsc.load_gather(nlist_v, [li0, li1])

    def pad_b(k, carry):
        offs = count + k * L + lane
        m = offs < padded
        o = jnp.where(m, offs, 0)
        plsc.store_scatter(plist_v, [o // K, o % K], lastp, mask=m)
        plsc.store_scatter(nlist_v, [o // K, o % K], lastn, mask=m)
        return carry

    lax.fori_loop(0, 2 * K // L, pad_b, 0)

    pltpu.sync_copy(lu_local, lu_hbm.at[pl.ds(lo, RANGE)])

    def cp2(jj, carry):
        j0 = 2 * jj
        g0 = pltpu.async_copy(newmem_hbm.at[plist_v.at[j0]], rows_v, sem)
        g1 = pltpu.async_copy(newmem_hbm.at[plist_v.at[j0 + 1]], rows2_v, semb)
        g0.wait()
        s0 = pltpu.async_copy(rows_v, mem_hbm.at[nlist_v.at[j0]], sem)
        g1.wait()
        s1 = pltpu.async_copy(rows2_v, mem_hbm.at[nlist_v.at[j0 + 1]], semb)
        s0.wait()
        s1.wait()
        return carry

    lax.fori_loop(0, padded // (2 * K), cp2, 0)


def kernel(node_ids, agg_messages, timestamps, memory, last_update,
           W_ih, W_hh, b_ih, b_hh):
    ids = node_ids.astype(jnp.int32)
    mem_ref = jax.new_ref(memory)
    lu_pad = jnp.concatenate(
        [last_update, jnp.zeros((NPAD - N_NODES,), jnp.float32)])
    lu_ref = jax.new_ref(lu_pad)
    cur_mem = _gather_rows(memory, ids)
    new_mem = _gru(agg_messages, cur_mem, W_ih, W_hh,
                   b_ih.reshape(1, 3 * D), b_hh.reshape(1, 3 * D))
    _scatter_rows(ids, new_mem, timestamps, mem_ref, lu_ref)
    return mem_ref[...], lu_ref[...][:N_NODES], new_mem

# --- scband reference (transcript-rebuilt; emitter-appended) ---
"""Pipeline reference for scband-memory-module-7524782702605 (READ-ONLY COPY).

The authoritative reference and input builder live on the scoring server;
editing this copy changes nothing except your own understanding.
"""

import jax, jax.numpy as jnp
import numpy as np

NUM_NODES = 100000
MEM_DIM = 512
MSG_DIM = 512
M = 16384


def gru_cell(x, h, W_ih, W_hh, b_ih, b_hh):
    gi = x @ W_ih.T + b_ih
    gh = h @ W_hh.T + b_hh
    i_r, i_z, i_n = jnp.split(gi, 3, axis=1)
    h_r, h_z, h_n = jnp.split(gh, 3, axis=1)
    r = jax.nn.sigmoid(i_r + h_r)
    z = jax.nn.sigmoid(i_z + h_z)
    n = jnp.tanh(i_n + r * h_n)
    return (1.0 - z) * n + z * h


def setup_inputs(seed: int = 0) -> dict:
    key = jax.random.key(seed)
    k = jax.random.split(key, 8)
    node_ids = jax.random.randint(k[0], (M,), 0, NUM_NODES)
    agg_messages = jax.random.normal(k[1], (M, MSG_DIM), dtype=jnp.float32)
    timestamps = jax.random.uniform(k[2], (M,), dtype=jnp.float32)
    memory = jax.random.normal(k[3], (NUM_NODES, MEM_DIM), dtype=jnp.float32) * 0.1
    last_update = jnp.zeros((NUM_NODES,), dtype=jnp.float32)
    s = 1.0 / np.sqrt(MEM_DIM)
    W_ih = jax.random.uniform(k[4], (3 * MEM_DIM, MSG_DIM), minval=-s, maxval=s, dtype=jnp.float32)
    W_hh = jax.random.uniform(k[5], (3 * MEM_DIM, MEM_DIM), minval=-s, maxval=s, dtype=jnp.float32)
    b_ih = jax.random.uniform(k[6], (3 * MEM_DIM,), minval=-s, maxval=s, dtype=jnp.float32)
    b_hh = jax.random.uniform(k[7], (3 * MEM_DIM,), minval=-s, maxval=s, dtype=jnp.float32)
    return {"node_ids": node_ids, "agg_messages": agg_messages, "timestamps": timestamps,
            "memory": memory, "last_update": last_update,
            "W_ih": W_ih, "W_hh": W_hh, "b_ih": b_ih, "b_hh": b_hh}


def reference(node_ids, agg_messages, timestamps, memory, last_update, W_ih, W_hh, b_ih, b_hh):
    # update_with_messages: gather current memory, GRUCell update, scatter-set back
    cur_mem = memory[node_ids]
    new_mem = gru_cell(agg_messages, cur_mem, W_ih, W_hh, b_ih, b_hh)
    new_memory = memory.at[node_ids].set(jax.lax.stop_gradient(new_mem))
    new_last_update = last_update.at[node_ids].set(timestamps)
    return new_memory, new_last_update, new_mem

if __name__ == "__main__":
    import jax
    _d = setup_inputs()
    print(jax.jit(kernel)(*tuple(_d.values())))

</pallas_src>

<mosaic_0001>
#map = affine_map<(d0, d1) -> (0)>
#map1 = affine_map<(d0, d1) -> (0, 0)>
module attributes {stable_mosaic.version = 14 : i64} {
  func.func @new_body(%arg0: i32, %arg1: i32, %arg2: memref<16384xi32, #tpu.memory_space<hbm>>, %arg3: memref<16384x512xf32, #tpu.memory_space<hbm>>, %arg4: memref<16384xf32, #tpu.memory_space<hbm>>, %arg5: memref<100000x512xf32, #tpu.memory_space<hbm>>, %arg6: memref<102400xf32, #tpu.memory_space<hbm>>, %arg7: memref<100000x512xf32, #tpu.memory_space<hbm>>, %arg8: memref<102400xf32, #tpu.memory_space<hbm>>, %arg9: memref<16384xi32, #tpu.memory_space<vmem>>, %arg10: memref<3200xi32, #tpu.memory_space<vmem>>, %arg11: memref<50x64xi32, #tpu.memory_space<vmem>>, %arg12: memref<50x64xi32, #tpu.memory_space<vmem>>, %arg13: memref<64x512xf32, #tpu.memory_space<vmem>>, %arg14: memref<64x512xf32, #tpu.memory_space<vmem>>, %arg15: memref<16384xf32, #tpu.memory_space<vmem>>, %arg16: memref<3200xf32, #tpu.memory_space<vmem>>, %arg17: memref<!tpu.dma_semaphore, #tpu.memory_space<semaphore_mem>>, %arg18: memref<!tpu.dma_semaphore, #tpu.memory_space<semaphore_mem>>) attributes {dimension_semantics = [#tpu.dimension_semantics<core_parallel>, #tpu.dimension_semantics<subcore_parallel>], iteration_bounds = array<i64: 2, 16>, scalar_prefetch = 0 : i64, scratch_operands = 10 : i64, tpu.core_type = #tpu.core_type<sc_vector_subcore>, window_params = [{transform_indices = #map}, {transform_indices = #map1}, {transform_indices = #map}, {transform_indices = #map1}, {transform_indices = #map}, {transform_indices = #map1}, {transform_indices = #map}]} {
    %mul3A = arith.constant 2 : i32
    %mul3A_0 = arith.muli %arg1, %mul3A : i32
    %add3A = arith.addi %mul3A_0, %arg0 : i32
    %mul3A_1 = arith.constant 3200 : i32
    %mul3A_2 = arith.muli %add3A, %mul3A_1 : i32
    %iota3A = tpu.iota {dimensions = array<i32: 0>} : vector<16xi32>
    "tpu.region"() ({
      %run_scoped3A = tpu.sem_alloc : memref<!tpu.dma_semaphore, #tpu.memory_space<semaphore_mem>>
      tpu.enqueue_dma source(%arg2 : memref<16384xi32, #tpu.memory_space<hbm>>) target(%arg9 : memref<16384xi32, #tpu.memory_space<vmem>>) target_semaphore(%run_scoped3A : memref<!tpu.dma_semaphore, #tpu.memory_space<semaphore_mem>>)
      tpu.wait_dma2 semaphore(%run_scoped3A : memref<!tpu.dma_semaphore, #tpu.memory_space<semaphore_mem>>) src(%arg2 : memref<16384xi32, #tpu.memory_space<hbm>>) dst(%arg9 : memref<16384xi32, #tpu.memory_space<vmem>>)
      tpu.yield
    }) : () -> ()
    "tpu.region"() ({
      %run_scoped3A = tpu.sem_alloc : memref<!tpu.dma_semaphore, #tpu.memory_space<semaphore_mem>>
      tpu.enqueue_dma source(%arg4 : memref<16384xf32, #tpu.memory_space<hbm>>) target(%arg15 : memref<16384xf32, #tpu.memory_space<vmem>>) target_semaphore(%run_scoped3A : memref<!tpu.dma_semaphore, #tpu.memory_space<semaphore_mem>>)
      tpu.wait_dma2 semaphore(%run_scoped3A : memref<!tpu.dma_semaphore, #tpu.memory_space<semaphore_mem>>) src(%arg4 : memref<16384xf32, #tpu.memory_space<hbm>>) dst(%arg15 : memref<16384xf32, #tpu.memory_space<vmem>>)
      tpu.yield
    }) : () -> ()
    "tpu.region"() ({
      %run_scoped3A = tpu.sem_alloc : memref<!tpu.dma_semaphore, #tpu.memory_space<semaphore_mem>>
      %dma_start3A = tpu.memref_slice %arg6[%mul3A_2] : memref<102400xf32, #tpu.memory_space<hbm>> -> memref<3200xf32, #tpu.memory_space<hbm>>
      %dma_start3A_130 = tpu.memref_slice %arg6[%mul3A_2] : memref<102400xf32, #tpu.memory_space<hbm>> -> memref<3200xf32, #tpu.memory_space<hbm>>
      tpu.enqueue_dma source(%dma_start3A_130 : memref<3200xf32, #tpu.memory_space<hbm>>) target(%arg16 : memref<3200xf32, #tpu.memory_space<vmem>>) target_semaphore(%run_scoped3A : memref<!tpu.dma_semaphore, #tpu.memory_space<semaphore_mem>>)
      %dma_wait3A = tpu.memref_slice %arg6[%mul3A_2] : memref<102400xf32, #tpu.memory_space<hbm>> -> memref<3200xf32, #tpu.memory_space<hbm>>
      %dma_wait3A_131 = tpu.memref_slice %arg6[%mul3A_2] : memref<102400xf32, #tpu.memory_space<hbm>> -> memref<3200xf32, #tpu.memory_space<hbm>>
      tpu.wait_dma2 semaphore(%run_scoped3A : memref<!tpu.dma_semaphore, #tpu.memory_space<semaphore_mem>>) src(%dma_wait3A_131 : memref<3200xf32, #tpu.memory_space<hbm>>) dst(%arg16 : memref<3200xf32, #tpu.memory_space<vmem>>)
      tpu.yield
    }) : () -> ()
    %scan3A = arith.constant 0 : i32
    %scan3A_3 = arith.constant 0 : i32
    %scan3A_4 = arith.constant 200 : i32
    %scan3A_5 = arith.addi %scan3A_3, %scan3A_4 : i32
    %scan3A_6 = arith.constant 1 : i32
    scf.for %scan3A_130 = %scan3A_3 to %scan3A_5 step %scan3A_6  : i32 {
      %broadcast_in_dim3A_131 = arith.constant -1 : i32
      %broadcast_in_dim3A_132 = vector.broadcast %broadcast_in_dim3A_131 : i32 to vector<16xi32>
      %mul3A_133 = arith.constant 16 : i32
      %mul3A_134 = arith.muli %scan3A_130, %mul3A_133 : i32
      %swap3A = arith.index_cast %mul3A_134 : i32 to index
      %swap3A_135 = tpu.vector_load %arg10[%swap3A] {strides = array<i32>} : memref<3200xi32, #tpu.memory_space<vmem>>, vector<16xi32>,
      tpu.vector_store %arg10[%swap3A], %broadcast_in_dim3A_132 {strides = array<i32>} : memref<3200xi32, #tpu.memory_space<vmem>>, vector<16xi32>,
    }
    %scan3A_7 = arith.constant 200 : i32
    %add3A_8 = arith.constant 1 : i32
    %add3A_9 = vector.broadcast %add3A_8 : i32 to vector<16xi32>
    %add3A_10 = arith.addi %iota3A, %add3A_9 : vector<16xi32>
    %min3A = arith.constant 15 : i32
    %min3A_11 = vector.broadcast %min3A : i32 to vector<16xi32>
    %min3A_12 = arith.minsi %add3A_10, %min3A_11 : vector<16xi32>
    %scan3A_13 = arith.constant 0 : i32
    %scan3A_14 = arith.constant 0 : i32
    %scan3A_15 = arith.constant 256 : i32
    %scan3A_16 = arith.addi %scan3A_14, %scan3A_15 : i32
    %scan3A_17 = arith.constant 1 : i32
    scf.for %scan3A_130 = %scan3A_14 to %scan3A_16 step %scan3A_17  : i32 {
      %mul3A_131 = arith.constant 4 : i32
      %mul3A_132 = arith.muli %scan3A_130, %mul3A_131 : i32
      %add3A_133 = arith.constant 0 : i32
      %add3A_134 = arith.addi %mul3A_132, %add3A_133 : i32
      %mul3A_135 = arith.constant 16 : i32
      %mul3A_136 = arith.muli %add3A_134, %mul3A_135 : i32
      %get3A = arith.index_cast %mul3A_136 : i32 to index
      %get3A_137 = tpu.vector_load %arg9[%get3A] {strides = array<i32>} : memref<16384xi32, #tpu.memory_space<vmem>>, vector<16xi32>,
      %mul3A_138 = arith.constant 16 : i32
      %mul3A_139 = vector.broadcast %mul3A_138 : i32 to vector<16xi32>
      %mul3A_140 = arith.muli %get3A_137, %mul3A_139 : vector<16xi32>
      %add3A_141 = arith.addi %mul3A_140, %iota3A : vector<16xi32>
      %mul3A_142 = arith.constant 16 : i32
      %mul3A_143 = arith.muli %add3A_134, %mul3A_142 : i32
      %add3A_144 = vector.broadcast %mul3A_143 : i32 to vector<16xi32>
      %add3A_145 = arith.addi %add3A_144, %iota3A : vector<16xi32>
      %masked_sort3A = arith.constant dense<true> : vector<16xi1>
      %masked_sort3A_146 = arith.constant -2147483648 : i32
      %masked_sort3A_147 = vector.broadcast %masked_sort3A_146 : i32 to vector<16xi32>
      %masked_sort3A_148 = arith.xori %add3A_141, %masked_sort3A_147 : vector<16xi32>
      %masked_sort3A_149, %masked_sort3A_150, %masked_sort3A_151 = tpu.sort %masked_sort3A_148, %add3A_145 masked %masked_sort3A : (vector<16xi32>, vector<16xi32>, vector<16xi1>) -> (vector<16xi1>, vector<16xi32>, vector<16xi32>)
      %masked_sort3A_152 = arith.xori %masked_sort3A_150, %masked_sort3A_147 : vector<16xi32>
      %shift_right_logical3A = arith.constant 4 : i32
      %shift_right_logical3A_153 = vector.broadcast %shift_right_logical3A : i32 to vector<16xi32>
      %shift_right_logical3A_154 = arith.shrui %masked_sort3A_152, %shift_right_logical3A_153 : vector<16xi32>
      %broadcast_in_dim3A_155 = vector.shape_cast %min3A_12 : vector<16xi32> to vector<16x1xi32>
      %gather3A_156 = vector.shape_cast %broadcast_in_dim3A_155 : vector<16x1xi32> to vector<16xi32>
      %gather3A_157 = tpu.dynamic_gather %masked_sort3A_152[%gather3A_156] in [0] : vector<16xi32>, vector<16xi32> -> vector<16xi32>
      %shift_right_logical3A_158 = arith.constant 4 : i32
      %shift_right_logical3A_159 = vector.broadcast %shift_right_logical3A_158 : i32 to vector<16xi32>
      %shift_right_logical3A_160 = arith.shrui %gather3A_157, %shift_right_logical3A_159 : vector<16xi32>
      %ne3A_161 = arith.cmpi ne, %shift_right_logical3A_154, %shift_right_logical3A_160 : vector<16xi32>
      %eq3A_162 = arith.constant 15 : i32
      %eq3A_163 = vector.broadcast %eq3A_162 : i32 to vector<16xi32>
      %eq3A_164 = arith.cmpi eq, %iota3A, %eq3A_163 : vector<16xi32>
      %or3A = arith.ori %ne3A_161, %eq3A_164 : vector<16xi1>
      %ge3A = vector.broadcast %mul3A_2 : i32 to vector<16xi32>
      %ge3A_165 = arith.cmpi sge, %shift_right_logical3A_154, %ge3A : vector<16xi32>
      %add3A_166 = arith.constant 3200 : i32
      %add3A_167 = arith.addi %mul3A_2, %add3A_166 : i32
      %lt3A_168 = vector.broadcast %add3A_167 : i32 to vector<16xi32>
      %lt3A_169 = arith.cmpi slt, %shift_right_logical3A_154, %lt3A_168 : vector<16xi32>
      %and3A_170 = arith.andi %ge3A_165, %lt3A_169 : vector<16xi1>
      %and3A_171 = arith.andi %or3A, %and3A_170 : vector<16xi1>
      %sub3A_172 = vector.broadcast %mul3A_2 : i32 to vector<16xi32>
      %sub3A_173 = arith.subi %shift_right_logical3A_154, %sub3A_172 : vector<16xi32>
      %jit3A_174 = arith.constant 0 : i32
      %broadcast_in_dim3A_175 = vector.broadcast %jit3A_174 : i32 to vector<16xi32>
      %select_n3A_176 = arith.select %and3A_171, %sub3A_173, %broadcast_in_dim3A_175 : vector<16xi1>, vector<16xi32>
      tpu.vector_store_idx %arg10[%select_n3A_176], %masked_sort3A_151 masked %and3A_171 : memref<3200xi32, #tpu.memory_space<vmem>>[vector<16xi32>], vector<16xi32>, vector<16xi1>
      %mul3A_177 = arith.constant 4 : i32
      %mul3A_178 = arith.muli %scan3A_130, %mul3A_177 : i32
      %add3A_179 = arith.constant 1 : i32
      %add3A_180 = arith.addi %mul3A_178, %add3A_179 : i32
      %mul3A_181 = arith.constant 16 : i32
      %mul3A_182 = arith.muli %add3A_180, %mul3A_181 : i32
      %get3A_183 = arith.index_cast %mul3A_182 : i32 to index
      %get3A_184 = tpu.vector_load %arg9[%get3A_183] {strides = array<i32>} : memref<16384xi32, #tpu.memory_space<vmem>>, vector<16xi32>,
      %mul3A_185 = arith.constant 16 : i32
      %mul3A_186 = vector.broadcast %mul3A_185 : i32 to vector<16xi32>
      %mul3A_187 = arith.muli %get3A_184, %mul3A_186 : vector<16xi32>
      %add3A_188 = arith.addi %mul3A_187, %iota3A : vector<16xi32>
      %mul3A_189 = arith.constant 16 : i32
      %mul3A_190 = arith.muli %add3A_180, %mul3A_189 : i32
      %add3A_191 = vector.broadcast %mul3A_190 : i32 to vector<16xi32>
      %add3A_192 = arith.addi %add3A_191, %iota3A : vector<16xi32>
      %masked_sort3A_193 = arith.constant dense<true> : vector<16xi1>
      %masked_sort3A_194 = arith.constant -2147483648 : i32
      %masked_sort3A_195 = vector.broadcast %masked_sort3A_194 : i32 to vector<16xi32>
      %masked_sort3A_196 = arith.xori %add3A_188, %masked_sort3A_195 : vector<16xi32>
      %masked_sort3A_197, %masked_sort3A_198, %masked_sort3A_199 = tpu.sort %masked_sort3A_196, %add3A_192 masked %masked_sort3A_193 : (vector<16xi32>, vector<16xi32>, vector<16xi1>) -> (vector<16xi1>, vector<16xi32>, vector<16xi32>)
      %masked_sort3A_200 = arith.xori %masked_sort3A_198, %masked_sort3A_195 : vector<16xi32>
      %shift_right_logical3A_201 = arith.constant 4 : i32
      %shift_right_logical3A_202 = vector.broadcast %shift_right_logical3A_201 : i32 to vector<16xi32>
      %shift_right_logical3A_203 = arith.shrui %masked_sort3A_200, %shift_right_logical3A_202 : vector<16xi32>
      %broadcast_in_dim3A_204 = vector.shape_cast %min3A_12 : vector<16xi32> to vector<16x1xi32>
      %gather3A_205 = vector.shape_cast %broadcast_in_dim3A_204 : vector<16x1xi32> to vector<16xi32>
      %gather3A_206 = tpu.dynamic_gather %masked_sort3A_200[%gather3A_205] in [0] : vector<16xi32>, vector<16xi32> -> vector<16xi32>
      %shift_right_logical3A_207 = arith.constant 4 : i32
      %shift_right_logical3A_208 = vector.broadcast %shift_right_logical3A_207 : i32 to vector<16xi32>
      %shift_right_logical3A_209 = arith.shrui %gather3A_206, %shift_right_logical3A_208 : vector<16xi32>
      %ne3A_210 = arith.cmpi ne, %shift_right_logical3A_203, %shift_right_logical3A_209 : vector<16xi32>
      %eq3A_211 = arith.constant 15 : i32
      %eq3A_212 = vector.broadcast %eq3A_211 : i32 to vector<16xi32>
      %eq3A_213 = arith.cmpi eq, %iota3A, %eq3A_212 : vector<16xi32>
      %or3A_214 = arith.ori %ne3A_210, %eq3A_213 : vector<16xi1>
      %ge3A_215 = vector.broadcast %mul3A_2 : i32 to vector<16xi32>
      %ge3A_216 = arith.cmpi sge, %shift_right_logical3A_203, %ge3A_215 : vector<16xi32>
      %add3A_217 = arith.constant 3200 : i32
      %add3A_218 = arith.addi %mul3A_2, %add3A_217 : i32
      %lt3A_219 = vector.broadcast %add3A_218 : i32 to vector<16xi32>
      %lt3A_220 = arith.cmpi slt, %shift_right_logical3A_203, %lt3A_219 : vector<16xi32>
      %and3A_221 = arith.andi %ge3A_216, %lt3A_220 : vector<16xi1>
      %and3A_222 = arith.andi %or3A_214, %and3A_221 : vector<16xi1>
      %sub3A_223 = vector.broadcast %mul3A_2 : i32 to vector<16xi32>
      %sub3A_224 = arith.subi %shift_right_logical3A_203, %sub3A_223 : vector<16xi32>
      %jit3A_225 = arith.constant 0 : i32
      %broadcast_in_dim3A_226 = vector.broadcast %jit3A_225 : i32 to vector<16xi32>
      %select_n3A_227 = arith.select %and3A_222, %sub3A_224, %broadcast_in_dim3A_226 : vector<16xi1>, vector<16xi32>
      tpu.vector_store_idx %arg10[%select_n3A_227], %masked_sort3A_199 masked %and3A_222 : memref<3200xi32, #tpu.memory_space<vmem>>[vector<16xi32>], vector<16xi32>, vector<16xi1>
      %mul3A_228 = arith.constant 4 : i32
      %mul3A_229 = arith.muli %scan3A_130, %mul3A_228 : i32
      %add3A_230 = arith.constant 2 : i32
      %add3A_231 = arith.addi %mul3A_229, %add3A_230 : i32
      %mul3A_232 = arith.constant 16 : i32
      %mul3A_233 = arith.muli %add3A_231, %mul3A_232 : i32
      %get3A_234 = arith.index_cast %mul3A_233 : i32 to index
      %get3A_235 = tpu.vector_load %arg9[%get3A_234] {strides = array<i32>} : memref<16384xi32, #tpu.memory_space<vmem>>, vector<16xi32>,
      %mul3A_236 = arith.constant 16 : i32
      %mul3A_237 = vector.broadcast %mul3A_236 : i32 to vector<16xi32>
      %mul3A_238 = arith.muli %get3A_235, %mul3A_237 : vector<16xi32>
      %add3A_239 = arith.addi %mul3A_238, %iota3A : vector<16xi32>
      %mul3A_240 = arith.constant 16 : i32
      %mul3A_241 = arith.muli %add3A_231, %mul3A_240 : i32
      %add3A_242 = vector.broadcast %mul3A_241 : i32 to vector<16xi32>
      %add3A_243 = arith.addi %add3A_242, %iota3A : vector<16xi32>
      %masked_sort3A_244 = arith.constant dense<true> : vector<16xi1>
      %masked_sort3A_245 = arith.constant -2147483648 : i32
      %masked_sort3A_246 = vector.broadcast %masked_sort3A_245 : i32 to vector<16xi32>
      %masked_sort3A_247 = arith.xori %add3A_239, %masked_sort3A_246 : vector<16xi32>
      %masked_sort3A_248, %masked_sort3A_249, %masked_sort3A_250 = tpu.sort %masked_sort3A_247, %add3A_243 masked %masked_sort3A_244 : (vector<16xi32>, vector<16xi32>, vector<16xi1>) -> (vector<16xi1>, vector<16xi32>, vector<16xi32>)
      %masked_sort3A_251 = arith.xori %masked_sort3A_249, %masked_sort3A_246 : vector<16xi32>
      %shift_right_logical3A_252 = arith.constant 4 : i32
      %shift_right_logical3A_253 = vector.broadcast %shift_right_logical3A_252 : i32 to vector<16xi32>
      %shift_right_logical3A_254 = arith.shrui %masked_sort3A_251, %shift_right_logical3A_253 : vector<16xi32>
      %broadcast_in_dim3A_255 = vector.shape_cast %min3A_12 : vector<16xi32> to vector<16x1xi32>
      %gather3A_256 = vector.shape_cast %broadcast_in_dim3A_255 : vector<16x1xi32> to vector<16xi32>
      %gather3A_257 = tpu.dynamic_gather %masked_sort3A_251[%gather3A_256] in [0] : vector<16xi32>, vector<16xi32> -> vector<16xi32>
      %shift_right_logical3A_258 = arith.constant 4 : i32
      %shift_right_logical3A_259 = vector.broadcast %shift_right_logical3A_258 : i32 to vector<16xi32>
      %shift_right_logical3A_260 = arith.shrui %gather3A_257, %shift_right_logical3A_259 : vector<16xi32>
      %ne3A_261 = arith.cmpi ne, %shift_right_logical3A_254, %shift_right_logical3A_260 : vector<16xi32>
      %eq3A_262 = arith.constant 15 : i32
      %eq3A_263 = vector.broadcast %eq3A_262 : i32 to vector<16xi32>
      %eq3A_264 = arith.cmpi eq, %iota3A, %eq3A_263 : vector<16xi32>
      %or3A_265 = arith.ori %ne3A_261, %eq3A_264 : vector<16xi1>
      %ge3A_266 = vector.broadcast %mul3A_2 : i32 to vector<16xi32>
      %ge3A_267 = arith.cmpi sge, %shift_right_logical3A_254, %ge3A_266 : vector<16xi32>
      %add3A_268 = arith.constant 3200 : i32
      %add3A_269 = arith.addi %mul3A_2, %add3A_268 : i32
      %lt3A_270 = vector.broadcast %add3A_269 : i32 to vector<16xi32>
      %lt3A_271 = arith.cmpi slt, %shift_right_logical3A_254, %lt3A_270 : vector<16xi32>
      %and3A_272 = arith.andi %ge3A_267, %lt3A_271 : vector<16xi1>
      %and3A_273 = arith.andi %or3A_265, %and3A_272 : vector<16xi1>
      %sub3A_274 = vector.broadcast %mul3A_2 : i32 to vector<16xi32>
      %sub3A_275 = arith.subi %shift_right_logical3A_254, %sub3A_274 : vector<16xi32>
      %jit3A_276 = arith.constant 0 : i32
      %broadcast_in_dim3A_277 = vector.broadcast %jit3A_276 : i32 to vector<16xi32>
      %select_n3A_278 = arith.select %and3A_273, %sub3A_275, %broadcast_in_dim3A_277 : vector<16xi1>, vector<16xi32>
      tpu.vector_store_idx %arg10[%select_n3A_278], %masked_sort3A_250 masked %and3A_273 : memref<3200xi32, #tpu.memory_space<vmem>>[vector<16xi32>], vector<16xi32>, vector<16xi1>
      %mul3A_279 = arith.constant 4 : i32
      %mul3A_280 = arith.muli %scan3A_130, %mul3A_279 : i32
      %add3A_281 = arith.constant 3 : i32
      %add3A_282 = arith.addi %mul3A_280, %add3A_281 : i32
      %mul3A_283 = arith.constant 16 : i32
      %mul3A_284 = arith.muli %add3A_282, %mul3A_283 : i32
      %get3A_285 = arith.index_cast %mul3A_284 : i32 to index
      %get3A_286 = tpu.vector_load %arg9[%get3A_285] {strides = array<i32>} : memref<16384xi32, #tpu.memory_space<vmem>>, vector<16xi32>,
      %mul3A_287 = arith.constant 16 : i32
      %mul3A_288 = vector.broadcast %mul3A_287 : i32 to vector<16xi32>
      %mul3A_289 = arith.muli %get3A_286, %mul3A_288 : vector<16xi32>
      %add3A_290 = arith.addi %mul3A_289, %iota3A : vector<16xi32>
      %mul3A_291 = arith.constant 16 : i32
      %mul3A_292 = arith.muli %add3A_282, %mul3A_291 : i32
      %add3A_293 = vector.broadcast %mul3A_292 : i32 to vector<16xi32>
      %add3A_294 = arith.addi %add3A_293, %iota3A : vector<16xi32>
      %masked_sort3A_295 = arith.constant dense<true> : vector<16xi1>
      %masked_sort3A_296 = arith.constant -2147483648 : i32
      %masked_sort3A_297 = vector.broadcast %masked_sort3A_296 : i32 to vector<16xi32>
      %masked_sort3A_298 = arith.xori %add3A_290, %masked_sort3A_297 : vector<16xi32>
      %masked_sort3A_299, %masked_sort3A_300, %masked_sort3A_301 = tpu.sort %masked_sort3A_298, %add3A_294 masked %masked_sort3A_295 : (vector<16xi32>, vector<16xi32>, vector<16xi1>) -> (vector<16xi1>, vector<16xi32>, vector<16xi32>)
      %masked_sort3A_302 = arith.xori %masked_sort3A_300, %masked_sort3A_297 : vector<16xi32>
      %shift_right_logical3A_303 = arith.constant 4 : i32
      %shift_right_logical3A_304 = vector.broadcast %shift_right_logical3A_303 : i32 to vector<16xi32>
      %shift_right_logical3A_305 = arith.shrui %masked_sort3A_302, %shift_right_logical3A_304 : vector<16xi32>
      %broadcast_in_dim3A_306 = vector.shape_cast %min3A_12 : vector<16xi32> to vector<16x1xi32>
      %gather3A_307 = vector.shape_cast %broadcast_in_dim3A_306 : vector<16x1xi32> to vector<16xi32>
      %gather3A_308 = tpu.dynamic_gather %masked_sort3A_302[%gather3A_307] in [0] : vector<16xi32>, vector<16xi32> -> vector<16xi32>
      %shift_right_logical3A_309 = arith.constant 4 : i32
      %shift_right_logical3A_310 = vector.broadcast %shift_right_logical3A_309 : i32 to vector<16xi32>
      %shift_right_logical3A_311 = arith.shrui %gather3A_308, %shift_right_logical3A_310 : vector<16xi32>
      %ne3A_312 = arith.cmpi ne, %shift_right_logical3A_305, %shift_right_logical3A_311 : vector<16xi32>
      %eq3A_313 = arith.constant 15 : i32
      %eq3A_314 = vector.broadcast %eq3A_313 : i32 to vector<16xi32>
      %eq3A_315 = arith.cmpi eq, %iota3A, %eq3A_314 : vector<16xi32>
      %or3A_316 = arith.ori %ne3A_312, %eq3A_315 : vector<16xi1>
      %ge3A_317 = vector.broadcast %mul3A_2 : i32 to vector<16xi32>
      %ge3A_318 = arith.cmpi sge, %shift_right_logical3A_305, %ge3A_317 : vector<16xi32>
      %add3A_319 = arith.constant 3200 : i32
      %add3A_320 = arith.addi %mul3A_2, %add3A_319 : i32
      %lt3A_321 = vector.broadcast %add3A_320 : i32 to vector<16xi32>
      %lt3A_322 = arith.cmpi slt, %shift_right_logical3A_305, %lt3A_321 : vector<16xi32>
      %and3A_323 = arith.andi %ge3A_318, %lt3A_322 : vector<16xi1>
      %and3A_324 = arith.andi %or3A_316, %and3A_323 : vector<16xi1>
      %sub3A_325 = vector.broadcast %mul3A_2 : i32 to vector<16xi32>
      %sub3A_326 = arith.subi %shift_right_logical3A_305, %sub3A_325 : vector<16xi32>
      %jit3A_327 = arith.constant 0 : i32
      %broadcast_in_dim3A_328 = vector.broadcast %jit3A_327 : i32 to vector<16xi32>
      %select_n3A_329 = arith.select %and3A_324, %sub3A_326, %broadcast_in_dim3A_328 : vector<16xi1>, vector<16xi32>
      tpu.vector_store_idx %arg10[%select_n3A_329], %masked_sort3A_301 masked %and3A_324 : memref<3200xi32, #tpu.memory_space<vmem>>[vector<16xi32>], vector<16xi32>, vector<16xi1>
    }
    %scan3A_18 = arith.constant 256 : i32
    %scan3A_19 = arith.constant 0 : i32
    %scan3A_20 = arith.constant 0 : i32
    %scan3A_21 = arith.constant 200 : i32
    %scan3A_22 = arith.addi %scan3A_20, %scan3A_21 : i32
    %scan3A_23 = arith.constant 1 : i32
    %scan3A_24 = scf.for %scan3A_130 = %scan3A_20 to %scan3A_22 step %scan3A_23 iter_args(%scan3A_131 = %scan3A_19) -> (i32)  : i32 {
      %mul3A_132 = arith.constant 16 : i32
      %mul3A_133 = arith.muli %scan3A_130, %mul3A_132 : i32
      %get3A = arith.index_cast %mul3A_133 : i32 to index
      %get3A_134 = tpu.vector_load %arg10[%get3A] {strides = array<i32>} : memref<3200xi32, #tpu.memory_space<vmem>>, vector<16xi32>,
      %ge3A = arith.constant 0 : i32
      %ge3A_135 = vector.broadcast %ge3A : i32 to vector<16xi32>
      %ge3A_136 = arith.cmpi sge, %get3A_134, %ge3A_135 : vector<16xi32>
      %convert_element_type3A = arith.extui %ge3A_136 : vector<16xi1> to vector<16xi32>
      %broadcast_in_dim3A_137 = arith.constant true
      %broadcast_in_dim3A_138 = vector.broadcast %broadcast_in_dim3A_137 : i1 to vector<16xi1>
      %masked_cumsum3A = tpu.scan <sum>, %convert_element_type3A masked %broadcast_in_dim3A_138 : vector<16xi32>, vector<16xi1> -> vector<16xi32>
      %add3A_139 = vector.broadcast %scan3A_131 : i32 to vector<16xi32>
      %add3A_140 = arith.addi %add3A_139, %masked_cumsum3A : vector<16xi32>
      %sub3A_141 = arith.constant 1 : i32
      %sub3A_142 = vector.broadcast %sub3A_141 : i32 to vector<16xi32>
      %sub3A_143 = arith.subi %add3A_140, %sub3A_142 : vector<16xi32>
      %jit3A_144 = arith.constant 0 : i32
      %broadcast_in_dim3A_145 = vector.broadcast %jit3A_144 : i32 to vector<16xi32>
      %select_n3A_146 = arith.select %ge3A_136, %sub3A_143, %broadcast_in_dim3A_145 : vector<16xi1>, vector<16xi32>
      %mul3A_147 = arith.constant 16 : i32
      %mul3A_148 = arith.muli %scan3A_130, %mul3A_147 : i32
      %add3A_149 = arith.addi %mul3A_2, %mul3A_148 : i32
      %add3A_150 = vector.broadcast %add3A_149 : i32 to vector<16xi32>
      %add3A_151 = arith.addi %add3A_150, %iota3A : vector<16xi32>
      %jit3A_152 = arith.constant 64 : i32
      %div3A_153 = vector.broadcast %jit3A_152 : i32 to vector<16xi32>
      %div3A_154 = arith.divsi %select_n3A_146, %div3A_153 : vector<16xi32>
      %sign3A_155 = arith.constant 0 : i32
      %sign3A_156 = vector.broadcast %sign3A_155 : i32 to vector<16xi32>
      %sign3A_157 = arith.cmpi sgt, %select_n3A_146, %sign3A_156 : vector<16xi32>
      %sign3A_158 = arith.extui %sign3A_157 : vector<16xi1> to vector<16xi32>
      %sign3A_159 = arith.constant 0 : i32
      %sign3A_160 = vector.broadcast %sign3A_159 : i32 to vector<16xi32>
      %sign3A_161 = arith.cmpi slt, %select_n3A_146, %sign3A_160 : vector<16xi32>
      %sign3A_162 = arith.extui %sign3A_161 : vector<16xi1> to vector<16xi32>
      %sign3A_163 = arith.subi %sign3A_158, %sign3A_162 : vector<16xi32>
      %sign3A_164 = arith.constant 0 : i32
      %sign3A_165 = arith.cmpi sgt, %jit3A_152, %sign3A_164 : i32
      %sign3A_166 = arith.extui %sign3A_165 : i1 to i32
      %sign3A_167 = arith.constant 0 : i32
      %sign3A_168 = arith.cmpi slt, %jit3A_152, %sign3A_167 : i32
      %sign3A_169 = arith.extui %sign3A_168 : i1 to i32
      %sign3A_170 = arith.subi %sign3A_166, %sign3A_169 : i32
      %ne3A_171 = vector.broadcast %sign3A_170 : i32 to vector<16xi32>
      %ne3A_172 = arith.cmpi ne, %sign3A_163, %ne3A_171 : vector<16xi32>
      %rem3A_173 = vector.broadcast %jit3A_152 : i32 to vector<16xi32>
      %rem3A_174 = arith.remsi %select_n3A_146, %rem3A_173 : vector<16xi32>
      %ne3A_175 = arith.constant 0 : i32
      %ne3A_176 = vector.broadcast %ne3A_175 : i32 to vector<16xi32>
      %ne3A_177 = arith.cmpi ne, %rem3A_174, %ne3A_176 : vector<16xi32>
      %and3A_178 = arith.andi %ne3A_172, %ne3A_177 : vector<16xi1>
      %sub3A_179 = arith.constant 1 : i32
      %sub3A_180 = vector.broadcast %sub3A_179 : i32 to vector<16xi32>
      %sub3A_181 = arith.subi %div3A_154, %sub3A_180 : vector<16xi32>
      %select_n3A_182 = arith.select %and3A_178, %sub3A_181, %div3A_154 : vector<16xi1>, vector<16xi32>
      %jit3A_183 = arith.constant 64 : i32
      %eq3A_184 = arith.constant 0 : i32
      %eq3A_185 = arith.cmpi eq, %jit3A_183, %eq3A_184 : i32
      %jit3A_186 = arith.constant 1 : i32
      %select_n3A_187 = arith.select %eq3A_185, %jit3A_186, %jit3A_183 : i32
      %rem3A_188 = vector.broadcast %select_n3A_187 : i32 to vector<16xi32>
      %rem3A_189 = arith.remsi %select_n3A_146, %rem3A_188 : vector<16xi32>
      %ne3A_190 = arith.constant 0 : i32
      %ne3A_191 = vector.broadcast %ne3A_190 : i32 to vector<16xi32>
      %ne3A_192 = arith.cmpi ne, %rem3A_189, %ne3A_191 : vector<16xi32>
      %lt3A_193 = arith.constant 0 : i32
      %lt3A_194 = vector.broadcast %lt3A_193 : i32 to vector<16xi32>
      %lt3A_195 = arith.cmpi slt, %rem3A_189, %lt3A_194 : vector<16xi32>
      %lt3A_196 = arith.constant 0 : i32
      %lt3A_197 = arith.cmpi slt, %select_n3A_187, %lt3A_196 : i32
      %ne3A_198 = vector.broadcast %lt3A_197 : i1 to vector<16xi1>
      %ne3A_199 = vector.broadcast %ne3A_198 : vector<16xi1> to vector<16xi1>
      %ne3A_200 = arith.xori %lt3A_195, %ne3A_199 : vector<16xi1>
      %and3A_201 = arith.andi %ne3A_200, %ne3A_192 : vector<16xi1>
      %add3A_202 = vector.broadcast %select_n3A_187 : i32 to vector<16xi32>
      %add3A_203 = arith.addi %rem3A_189, %add3A_202 : vector<16xi32>
      %select_n3A_204 = arith.select %and3A_201, %add3A_203, %rem3A_189 : vector<16xi1>, vector<16xi32>
      tpu.vector_store_idx %arg11[%select_n3A_182, %select_n3A_204], %get3A_134 masked %ge3A_136 : memref<50x64xi32, #tpu.memory_space<vmem>>[vector<16xi32>, vector<16xi32>], vector<16xi32>, vector<16xi1>
      %jit3A_205 = arith.constant 64 : i32
      %div3A_206 = vector.broadcast %jit3A_205 : i32 to vector<16xi32>
      %div3A_207 = arith.divsi %select_n3A_146, %div3A_206 : vector<16xi32>
      %sign3A_208 = arith.constant 0 : i32
      %sign3A_209 = vector.broadcast %sign3A_208 : i32 to vector<16xi32>
      %sign3A_210 = arith.cmpi sgt, %select_n3A_146, %sign3A_209 : vector<16xi32>
      %sign3A_211 = arith.extui %sign3A_210 : vector<16xi1> to vector<16xi32>
      %sign3A_212 = arith.constant 0 : i32
      %sign3A_213 = vector.broadcast %sign3A_212 : i32 to vector<16xi32>
      %sign3A_214 = arith.cmpi slt, %select_n3A_146, %sign3A_213 : vector<16xi32>
      %sign3A_215 = arith.extui %sign3A_214 : vector<16xi1> to vector<16xi32>
      %sign3A_216 = arith.subi %sign3A_211, %sign3A_215 : vector<16xi32>
      %sign3A_217 = arith.constant 0 : i32
      %sign3A_218 = arith.cmpi sgt, %jit3A_205, %sign3A_217 : i32
      %sign3A_219 = arith.extui %sign3A_218 : i1 to i32
      %sign3A_220 = arith.constant 0 : i32
      %sign3A_221 = arith.cmpi slt, %jit3A_205, %sign3A_220 : i32
      %sign3A_222 = arith.extui %sign3A_221 : i1 to i32
      %sign3A_223 = arith.subi %sign3A_219, %sign3A_222 : i32
      %ne3A_224 = vector.broadcast %sign3A_223 : i32 to vector<16xi32>
      %ne3A_225 = arith.cmpi ne, %sign3A_216, %ne3A_224 : vector<16xi32>
      %rem3A_226 = vector.broadcast %jit3A_205 : i32 to vector<16xi32>
      %rem3A_227 = arith.remsi %select_n3A_146, %rem3A_226 : vector<16xi32>
      %ne3A_228 = arith.constant 0 : i32
      %ne3A_229 = vector.broadcast %ne3A_228 : i32 to vector<16xi32>
      %ne3A_230 = arith.cmpi ne, %rem3A_227, %ne3A_229 : vector<16xi32>
      %and3A_231 = arith.andi %ne3A_225, %ne3A_230 : vector<16xi1>
      %sub3A_232 = arith.constant 1 : i32
      %sub3A_233 = vector.broadcast %sub3A_232 : i32 to vector<16xi32>
      %sub3A_234 = arith.subi %div3A_207, %sub3A_233 : vector<16xi32>
      %select_n3A_235 = arith.select %and3A_231, %sub3A_234, %div3A_207 : vector<16xi1>, vector<16xi32>
      %jit3A_236 = arith.constant 64 : i32
      %eq3A_237 = arith.constant 0 : i32
      %eq3A_238 = arith.cmpi eq, %jit3A_236, %eq3A_237 : i32
      %jit3A_239 = arith.constant 1 : i32
      %select_n3A_240 = arith.select %eq3A_238, %jit3A_239, %jit3A_236 : i32
      %rem3A_241 = vector.broadcast %select_n3A_240 : i32 to vector<16xi32>
      %rem3A_242 = arith.remsi %select_n3A_146, %rem3A_241 : vector<16xi32>
      %ne3A_243 = arith.constant 0 : i32
      %ne3A_244 = vector.broadcast %ne3A_243 : i32 to vector<16xi32>
      %ne3A_245 = arith.cmpi ne, %rem3A_242, %ne3A_244 : vector<16xi32>
      %lt3A_246 = arith.constant 0 : i32
      %lt3A_247 = vector.broadcast %lt3A_246 : i32 to vector<16xi32>
      %lt3A_248 = arith.cmpi slt, %rem3A_242, %lt3A_247 : vector<16xi32>
      %lt3A_249 = arith.constant 0 : i32
      %lt3A_250 = arith.cmpi slt, %select_n3A_240, %lt3A_249 : i32
      %ne3A_251 = vector.broadcast %lt3A_250 : i1 to vector<16xi1>
      %ne3A_252 = vector.broadcast %ne3A_251 : vector<16xi1> to vector<16xi1>
      %ne3A_253 = arith.xori %lt3A_248, %ne3A_252 : vector<16xi1>
      %and3A_254 = arith.andi %ne3A_253, %ne3A_245 : vector<16xi1>
      %add3A_255 = vector.broadcast %select_n3A_240 : i32 to vector<16xi32>
      %add3A_256 = arith.addi %rem3A_242, %add3A_255 : vector<16xi32>
      %select_n3A_257 = arith.select %and3A_254, %add3A_256, %rem3A_242 : vector<16xi1>, vector<16xi32>
      tpu.vector_store_idx %arg12[%select_n3A_235, %select_n3A_257], %add3A_151 masked %ge3A_136 : memref<50x64xi32, #tpu.memory_space<vmem>>[vector<16xi32>, vector<16xi32>], vector<16xi32>, vector<16xi1>
      %jit3A_258 = arith.constant 0 : i32
      %broadcast_in_dim3A_259 = vector.broadcast %jit3A_258 : i32 to vector<16xi32>
      %select_n3A_260 = arith.select %ge3A_136, %get3A_134, %broadcast_in_dim3A_259 : vector<16xi1>, vector<16xi32>
      %gather3A_261 = tpu.vector_load_idx %arg15[%select_n3A_260] : memref<16384xf32, #tpu.memory_space<vmem>>[vector<16xi32>], vector<16xf32>,
      %mul3A_262 = arith.constant 16 : i32
      %mul3A_263 = arith.muli %scan3A_130, %mul3A_262 : i32
      %get3A_264 = arith.index_cast %mul3A_263 : i32 to index
      %get3A_265 = tpu.vector_load %arg16[%get3A_264] {strides = array<i32>} : memref<3200xf32, #tpu.memory_space<vmem>>, vector<16xf32>,
      %select_n3A_266 = arith.select %ge3A_136, %gather3A_261, %get3A_265 : vector<16xi1>, vector<16xf32>
      %mul3A_267 = arith.constant 16 : i32
      %mul3A_268 = arith.muli %scan3A_130, %mul3A_267 : i32
      %swap3A = arith.index_cast %mul3A_268 : i32 to index
      %swap3A_269 = tpu.vector_load %arg16[%swap3A] {strides = array<i32>} : memref<3200xf32, #tpu.memory_space<vmem>>, vector<16xf32>,
      tpu.vector_store %arg16[%swap3A], %select_n3A_266 {strides = array<i32>} : memref<3200xf32, #tpu.memory_space<vmem>>, vector<16xf32>,
      %reduce_sum3A = arith.constant true
      %reduce_sum3A_270 = vector.broadcast %reduce_sum3A : i1 to vector<16xi1>
      %reduce_sum3A_271 = tpu.scan <sum>, %convert_element_type3A masked %reduce_sum3A_270 : vector<16xi32>, vector<16xi1> -> vector<16xi32>
      %reduce_sum3A_272 = vector.extract %reduce_sum3A_271[15] : i32 from vector<16xi32>
      %add3A_273 = arith.addi %scan3A_131, %reduce_sum3A_272 : i32
      scf.yield %add3A_273 : i32
    }
    %scan3A_25 = arith.constant 200 : i32
    %add3A_26 = arith.constant 128 : i32
    %add3A_27 = arith.addi %scan3A_24, %add3A_26 : i32
    %sub3A = arith.constant 1 : i32
    %sub3A_28 = arith.subi %add3A_27, %sub3A : i32
    %jit3A = arith.constant 128 : i32
    %div3A = arith.divsi %sub3A_28, %jit3A : i32
    %sign3A = arith.constant 0 : i32
    %sign3A_29 = arith.cmpi sgt, %sub3A_28, %sign3A : i32
    %sign3A_30 = arith.extui %sign3A_29 : i1 to i32
    %sign3A_31 = arith.constant 0 : i32
    %sign3A_32 = arith.cmpi slt, %sub3A_28, %sign3A_31 : i32
    %sign3A_33 = arith.extui %sign3A_32 : i1 to i32
    %sign3A_34 = arith.subi %sign3A_30, %sign3A_33 : i32
    %sign3A_35 = arith.constant 0 : i32
    %sign3A_36 = arith.cmpi sgt, %jit3A, %sign3A_35 : i32
    %sign3A_37 = arith.extui %sign3A_36 : i1 to i32
    %sign3A_38 = arith.constant 0 : i32
    %sign3A_39 = arith.cmpi slt, %jit3A, %sign3A_38 : i32
    %sign3A_40 = arith.extui %sign3A_39 : i1 to i32
    %sign3A_41 = arith.subi %sign3A_37, %sign3A_40 : i32
    %ne3A = arith.cmpi ne, %sign3A_34, %sign3A_41 : i32
    %rem3A = arith.remsi %sub3A_28, %jit3A : i32
    %ne3A_42 = arith.constant 0 : i32
    %ne3A_43 = arith.cmpi ne, %rem3A, %ne3A_42 : i32
    %and3A = arith.andi %ne3A, %ne3A_43 : i1
    %sub3A_44 = arith.constant 1 : i32
    %sub3A_45 = arith.subi %div3A, %sub3A_44 : i32
    %select_n3A = arith.select %and3A, %sub3A_45, %div3A : i32
    %mul3A_46 = arith.constant 128 : i32
    %mul3A_47 = arith.muli %select_n3A, %mul3A_46 : i32
    %sub3A_48 = arith.constant 1 : i32
    %sub3A_49 = arith.subi %scan3A_24, %sub3A_48 : i32
    %max3A = arith.constant 0 : i32
    %max3A_50 = arith.maxsi %sub3A_49, %max3A : i32
    %jit3A_51 = arith.constant 64 : i32
    %div3A_52 = arith.divsi %max3A_50, %jit3A_51 : i32
    %sign3A_53 = arith.constant 0 : i32
    %sign3A_54 = arith.cmpi sgt, %max3A_50, %sign3A_53 : i32
    %sign3A_55 = arith.extui %sign3A_54 : i1 to i32
    %sign3A_56 = arith.constant 0 : i32
    %sign3A_57 = arith.cmpi slt, %max3A_50, %sign3A_56 : i32
    %sign3A_58 = arith.extui %sign3A_57 : i1 to i32
    %sign3A_59 = arith.subi %sign3A_55, %sign3A_58 : i32
    %sign3A_60 = arith.constant 0 : i32
    %sign3A_61 = arith.cmpi sgt, %jit3A_51, %sign3A_60 : i32
    %sign3A_62 = arith.extui %sign3A_61 : i1 to i32
    %sign3A_63 = arith.constant 0 : i32
    %sign3A_64 = arith.cmpi slt, %jit3A_51, %sign3A_63 : i32
    %sign3A_65 = arith.extui %sign3A_64 : i1 to i32
    %sign3A_66 = arith.subi %sign3A_62, %sign3A_65 : i32
    %ne3A_67 = arith.cmpi ne, %sign3A_59, %sign3A_66 : i32
    %rem3A_68 = arith.remsi %max3A_50, %jit3A_51 : i32
    %ne3A_69 = arith.constant 0 : i32
    %ne3A_70 = arith.cmpi ne, %rem3A_68, %ne3A_69 : i32
    %and3A_71 = arith.andi %ne3A_67, %ne3A_70 : i1
    %sub3A_72 = arith.constant 1 : i32
    %sub3A_73 = arith.subi %div3A_52, %sub3A_72 : i32
    %select_n3A_74 = arith.select %and3A_71, %sub3A_73, %div3A_52 : i32
    %broadcast_in_dim3A = vector.broadcast %select_n3A_74 : i32 to vector<16xi32>
    %jit3A_75 = arith.constant 64 : i32
    %eq3A = arith.constant 0 : i32
    %eq3A_76 = arith.cmpi eq, %jit3A_75, %eq3A : i32
    %jit3A_77 = arith.constant 1 : i32
    %select_n3A_78 = arith.select %eq3A_76, %jit3A_77, %jit3A_75 : i32
    %rem3A_79 = arith.remsi %max3A_50, %select_n3A_78 : i32
    %ne3A_80 = arith.constant 0 : i32
    %ne3A_81 = arith.cmpi ne, %rem3A_79, %ne3A_80 : i32
    %lt3A = arith.constant 0 : i32
    %lt3A_82 = arith.cmpi slt, %rem3A_79, %lt3A : i32
    %lt3A_83 = arith.constant 0 : i32
    %lt3A_84 = arith.cmpi slt, %select_n3A_78, %lt3A_83 : i32
    %ne3A_85 = arith.xori %lt3A_82, %lt3A_84 : i1
    %and3A_86 = arith.andi %ne3A_85, %ne3A_81 : i1
    %add3A_87 = arith.addi %rem3A_79, %select_n3A_78 : i32
    %select_n3A_88 = arith.select %and3A_86, %add3A_87, %rem3A_79 : i32
    %broadcast_in_dim3A_89 = vector.broadcast %select_n3A_88 : i32 to vector<16xi32>
    %gather3A = tpu.vector_load_idx %arg11[%broadcast_in_dim3A, %broadcast_in_dim3A_89] : memref<50x64xi32, #tpu.memory_space<vmem>>[vector<16xi32>, vector<16xi32>], vector<16xi32>,
    %gather3A_90 = tpu.vector_load_idx %arg12[%broadcast_in_dim3A, %broadcast_in_dim3A_89] : memref<50x64xi32, #tpu.memory_space<vmem>>[vector<16xi32>, vector<16xi32>], vector<16xi32>,
    %scan3A_91 = arith.constant 0 : i32
    %scan3A_92 = arith.constant 0 : i32
    %scan3A_93 = arith.constant 8 : i32
    %scan3A_94 = arith.addi %scan3A_92, %scan3A_93 : i32
    %scan3A_95 = arith.constant 1 : i32
    scf.for %scan3A_130 = %scan3A_92 to %scan3A_94 step %scan3A_95  : i32 {
      %mul3A_131 = arith.constant 16 : i32
      %mul3A_132 = arith.muli %scan3A_130, %mul3A_131 : i32
      %add3A_133 = arith.addi %scan3A_24, %mul3A_132 : i32
      %add3A_134 = vector.broadcast %add3A_133 : i32 to vector<16xi32>
      %add3A_135 = arith.addi %add3A_134, %iota3A : vector<16xi32>
      %lt3A_136 = vector.broadcast %mul3A_47 : i32 to vector<16xi32>
      %lt3A_137 = arith.cmpi slt, %add3A_135, %lt3A_136 : vector<16xi32>
      %jit3A_138 = arith.constant 0 : i32
      %broadcast_in_dim3A_139 = vector.broadcast %jit3A_138 : i32 to vector<16xi32>
      %select_n3A_140 = arith.select %lt3A_137, %add3A_135, %broadcast_in_dim3A_139 : vector<16xi1>, vector<16xi32>
      %jit3A_141 = arith.constant 64 : i32
      %div3A_142 = vector.broadcast %jit3A_141 : i32 to vector<16xi32>
      %div3A_143 = arith.divsi %select_n3A_140, %div3A_142 : vector<16xi32>
      %sign3A_144 = arith.constant 0 : i32
      %sign3A_145 = vector.broadcast %sign3A_144 : i32 to vector<16xi32>
      %sign3A_146 = arith.cmpi sgt, %select_n3A_140, %sign3A_145 : vector<16xi32>
      %sign3A_147 = arith.extui %sign3A_146 : vector<16xi1> to vector<16xi32>
      %sign3A_148 = arith.constant 0 : i32
      %sign3A_149 = vector.broadcast %sign3A_148 : i32 to vector<16xi32>
      %sign3A_150 = arith.cmpi slt, %select_n3A_140, %sign3A_149 : vector<16xi32>
      %sign3A_151 = arith.extui %sign3A_150 : vector<16xi1> to vector<16xi32>
      %sign3A_152 = arith.subi %sign3A_147, %sign3A_151 : vector<16xi32>
      %sign3A_153 = arith.constant 0 : i32
      %sign3A_154 = arith.cmpi sgt, %jit3A_141, %sign3A_153 : i32
      %sign3A_155 = arith.extui %sign3A_154 : i1 to i32
      %sign3A_156 = arith.constant 0 : i32
      %sign3A_157 = arith.cmpi slt, %jit3A_141, %sign3A_156 : i32
      %sign3A_158 = arith.extui %sign3A_157 : i1 to i32
      %sign3A_159 = arith.subi %sign3A_155, %sign3A_158 : i32
      %ne3A_160 = vector.broadcast %sign3A_159 : i32 to vector<16xi32>
      %ne3A_161 = arith.cmpi ne, %sign3A_152, %ne3A_160 : vector<16xi32>
      %rem3A_162 = vector.broadcast %jit3A_141 : i32 to vector<16xi32>
      %rem3A_163 = arith.remsi %select_n3A_140, %rem3A_162 : vector<16xi32>
      %ne3A_164 = arith.constant 0 : i32
      %ne3A_165 = vector.broadcast %ne3A_164 : i32 to vector<16xi32>
      %ne3A_166 = arith.cmpi ne, %rem3A_163, %ne3A_165 : vector<16xi32>
      %and3A_167 = arith.andi %ne3A_161, %ne3A_166 : vector<16xi1>
      %sub3A_168 = arith.constant 1 : i32
      %sub3A_169 = vector.broadcast %sub3A_168 : i32 to vector<16xi32>
      %sub3A_170 = arith.subi %div3A_143, %sub3A_169 : vector<16xi32>
      %select_n3A_171 = arith.select %and3A_167, %sub3A_170, %div3A_143 : vector<16xi1>, vector<16xi32>
      %jit3A_172 = arith.constant 64 : i32
      %eq3A_173 = arith.constant 0 : i32
      %eq3A_174 = arith.cmpi eq, %jit3A_172, %eq3A_173 : i32
      %jit3A_175 = arith.constant 1 : i32
      %select_n3A_176 = arith.select %eq3A_174, %jit3A_175, %jit3A_172 : i32
      %rem3A_177 = vector.broadcast %select_n3A_176 : i32 to vector<16xi32>
      %rem3A_178 = arith.remsi %select_n3A_140, %rem3A_177 : vector<16xi32>
      %ne3A_179 = arith.constant 0 : i32
      %ne3A_180 = vector.broadcast %ne3A_179 : i32 to vector<16xi32>
      %ne3A_181 = arith.cmpi ne, %rem3A_178, %ne3A_180 : vector<16xi32>
      %lt3A_182 = arith.constant 0 : i32
      %lt3A_183 = vector.broadcast %lt3A_182 : i32 to vector<16xi32>
      %lt3A_184 = arith.cmpi slt, %rem3A_178, %lt3A_183 : vector<16xi32>
      %lt3A_185 = arith.constant 0 : i32
      %lt3A_186 = arith.cmpi slt, %select_n3A_176, %lt3A_185 : i32
      %ne3A_187 = vector.broadcast %lt3A_186 : i1 to vector<16xi1>
      %ne3A_188 = vector.broadcast %ne3A_187 : vector<16xi1> to vector<16xi1>
      %ne3A_189 = arith.xori %lt3A_184, %ne3A_188 : vector<16xi1>
      %and3A_190 = arith.andi %ne3A_189, %ne3A_181 : vector<16xi1>
      %add3A_191 = vector.broadcast %select_n3A_176 : i32 to vector<16xi32>
      %add3A_192 = arith.addi %rem3A_178, %add3A_191 : vector<16xi32>
      %select_n3A_193 = arith.select %and3A_190, %add3A_192, %rem3A_178 : vector<16xi1>, vector<16xi32>
      tpu.vector_store_idx %arg11[%select_n3A_171, %select_n3A_193], %gather3A masked %lt3A_137 : memref<50x64xi32, #tpu.memory_space<vmem>>[vector<16xi32>, vector<16xi32>], vector<16xi32>, vector<16xi1>
      %jit3A_194 = arith.constant 64 : i32
      %div3A_195 = vector.broadcast %jit3A_194 : i32 to vector<16xi32>
      %div3A_196 = arith.divsi %select_n3A_140, %div3A_195 : vector<16xi32>
      %sign3A_197 = arith.constant 0 : i32
      %sign3A_198 = vector.broadcast %sign3A_197 : i32 to vector<16xi32>
      %sign3A_199 = arith.cmpi sgt, %select_n3A_140, %sign3A_198 : vector<16xi32>
      %sign3A_200 = arith.extui %sign3A_199 : vector<16xi1> to vector<16xi32>
      %sign3A_201 = arith.constant 0 : i32
      %sign3A_202 = vector.broadcast %sign3A_201 : i32 to vector<16xi32>
      %sign3A_203 = arith.cmpi slt, %select_n3A_140, %sign3A_202 : vector<16xi32>
      %sign3A_204 = arith.extui %sign3A_203 : vector<16xi1> to vector<16xi32>
      %sign3A_205 = arith.subi %sign3A_200, %sign3A_204 : vector<16xi32>
      %sign3A_206 = arith.constant 0 : i32
      %sign3A_207 = arith.cmpi sgt, %jit3A_194, %sign3A_206 : i32
      %sign3A_208 = arith.extui %sign3A_207 : i1 to i32
      %sign3A_209 = arith.constant 0 : i32
      %sign3A_210 = arith.cmpi slt, %jit3A_194, %sign3A_209 : i32
      %sign3A_211 = arith.extui %sign3A_210 : i1 to i32
      %sign3A_212 = arith.subi %sign3A_208, %sign3A_211 : i32
      %ne3A_213 = vector.broadcast %sign3A_212 : i32 to vector<16xi32>
      %ne3A_214 = arith.cmpi ne, %sign3A_205, %ne3A_213 : vector<16xi32>
      %rem3A_215 = vector.broadcast %jit3A_194 : i32 to vector<16xi32>
      %rem3A_216 = arith.remsi %select_n3A_140, %rem3A_215 : vector<16xi32>
      %ne3A_217 = arith.constant 0 : i32
      %ne3A_218 = vector.broadcast %ne3A_217 : i32 to vector<16xi32>
      %ne3A_219 = arith.cmpi ne, %rem3A_216, %ne3A_218 : vector<16xi32>
      %and3A_220 = arith.andi %ne3A_214, %ne3A_219 : vector<16xi1>
      %sub3A_221 = arith.constant 1 : i32
      %sub3A_222 = vector.broadcast %sub3A_221 : i32 to vector<16xi32>
      %sub3A_223 = arith.subi %div3A_196, %sub3A_222 : vector<16xi32>
      %select_n3A_224 = arith.select %and3A_220, %sub3A_223, %div3A_196 : vector<16xi1>, vector<16xi32>
      %jit3A_225 = arith.constant 64 : i32
      %eq3A_226 = arith.constant 0 : i32
      %eq3A_227 = arith.cmpi eq, %jit3A_225, %eq3A_226 : i32
      %jit3A_228 = arith.constant 1 : i32
      %select_n3A_229 = arith.select %eq3A_227, %jit3A_228, %jit3A_225 : i32
      %rem3A_230 = vector.broadcast %select_n3A_229 : i32 to vector<16xi32>
      %rem3A_231 = arith.remsi %select_n3A_140, %rem3A_230 : vector<16xi32>
      %ne3A_232 = arith.constant 0 : i32
      %ne3A_233 = vector.broadcast %ne3A_232 : i32 to vector<16xi32>
      %ne3A_234 = arith.cmpi ne, %rem3A_231, %ne3A_233 : vector<16xi32>
      %lt3A_235 = arith.constant 0 : i32
      %lt3A_236 = vector.broadcast %lt3A_235 : i32 to vector<16xi32>
      %lt3A_237 = arith.cmpi slt, %rem3A_231, %lt3A_236 : vector<16xi32>
      %lt3A_238 = arith.constant 0 : i32
      %lt3A_239 = arith.cmpi slt, %select_n3A_229, %lt3A_238 : i32
      %ne3A_240 = vector.broadcast %lt3A_239 : i1 to vector<16xi1>
      %ne3A_241 = vector.broadcast %ne3A_240 : vector<16xi1> to vector<16xi1>
      %ne3A_242 = arith.xori %lt3A_237, %ne3A_241 : vector<16xi1>
      %and3A_243 = arith.andi %ne3A_242, %ne3A_234 : vector<16xi1>
      %add3A_244 = vector.broadcast %select_n3A_229 : i32 to vector<16xi32>
      %add3A_245 = arith.addi %rem3A_231, %add3A_244 : vector<16xi32>
      %select_n3A_246 = arith.select %and3A_243, %add3A_245, %rem3A_231 : vector<16xi1>, vector<16xi32>
      tpu.vector_store_idx %arg12[%select_n3A_224, %select_n3A_246], %gather3A_90 masked %lt3A_137 : memref<50x64xi32, #tpu.memory_space<vmem>>[vector<16xi32>, vector<16xi32>], vector<16xi32>, vector<16xi1>
    }
    %scan3A_96 = arith.constant 8 : i32
    "tpu.region"() ({
      %run_scoped3A = tpu.sem_alloc : memref<!tpu.dma_semaphore, #tpu.memory_space<semaphore_mem>>
      %dma_start3A = tpu.memref_slice %arg6[%mul3A_2] : memref<102400xf32, #tpu.memory_space<hbm>> -> memref<3200xf32, #tpu.memory_space<hbm>>
      %dma_start3A_130 = tpu.memref_slice %arg6[%mul3A_2] : memref<102400xf32, #tpu.memory_space<hbm>> -> memref<3200xf32, #tpu.memory_space<hbm>>
      tpu.enqueue_dma source(%arg16 : memref<3200xf32, #tpu.memory_space<vmem>>) target(%dma_start3A_130 : memref<3200xf32, #tpu.memory_space<hbm>>) target_semaphore(%run_scoped3A : memref<!tpu.dma_semaphore, #tpu.memory_space<semaphore_mem>>)
      %dma_wait3A = tpu.memref_slice %arg6[%mul3A_2] : memref<102400xf32, #tpu.memory_space<hbm>> -> memref<3200xf32, #tpu.memory_space<hbm>>
      %dma_wait3A_131 = tpu.memref_slice %arg6[%mul3A_2] : memref<102400xf32, #tpu.memory_space<hbm>> -> memref<3200xf32, #tpu.memory_space<hbm>>
      tpu.wait_dma2 semaphore(%run_scoped3A : memref<!tpu.dma_semaphore, #tpu.memory_space<semaphore_mem>>) src(%arg16 : memref<3200xf32, #tpu.memory_space<vmem>>) dst(%dma_wait3A_131 : memref<3200xf32, #tpu.memory_space<hbm>>)
      tpu.yield
    }) : () -> ()
    %jit3A_97 = arith.constant 128 : i32
    %div3A_98 = arith.divsi %mul3A_47, %jit3A_97 : i32
    %sign3A_99 = arith.constant 0 : i32
    %sign3A_100 = arith.cmpi sgt, %mul3A_47, %sign3A_99 : i32
    %sign3A_101 = arith.extui %sign3A_100 : i1 to i32
    %sign3A_102 = arith.constant 0 : i32
    %sign3A_103 = arith.cmpi slt, %mul3A_47, %sign3A_102 : i32
    %sign3A_104 = arith.extui %sign3A_103 : i1 to i32
    %sign3A_105 = arith.subi %sign3A_101, %sign3A_104 : i32
    %sign3A_106 = arith.constant 0 : i32
    %sign3A_107 = arith.cmpi sgt, %jit3A_97, %sign3A_106 : i32
    %sign3A_108 = arith.extui %sign3A_107 : i1 to i32
    %sign3A_109 = arith.constant 0 : i32
    %sign3A_110 = arith.cmpi slt, %jit3A_97, %sign3A_109 : i32
    %sign3A_111 = arith.extui %sign3A_110 : i1 to i32
    %sign3A_112 = arith.subi %sign3A_108, %sign3A_111 : i32
    %ne3A_113 = arith.cmpi ne, %sign3A_105, %sign3A_112 : i32
    %rem3A_114 = arith.remsi %mul3A_47, %jit3A_97 : i32
    %ne3A_115 = arith.constant 0 : i32
    %ne3A_116 = arith.cmpi ne, %rem3A_114, %ne3A_115 : i32
    %and3A_117 = arith.andi %ne3A_113, %ne3A_116 : i1
    %sub3A_118 = arith.constant 1 : i32
    %sub3A_119 = arith.subi %div3A_98, %sub3A_118 : i32
    %select_n3A_120 = arith.select %and3A_117, %sub3A_119, %div3A_98 : i32
    %while3A = arith.constant 0 : i32
    %while3A_121 = arith.constant 0 : i32
    %while3A_122 = arith.subi %select_n3A_120, %while3A_121 : i32
    %while3A_123 = arith.addi %while3A_121, %while3A_122 : i32
    %while3A_124 = arith.constant 1 : i32
    %while3A_125 = arith.divsi %while3A_122, %while3A_124 : i32
    %while3A_126 = arith.muli %while3A_125, %while3A_124 : i32
    %while3A_127 = arith.addi %while3A_121, %while3A_126 : i32
    %while3A_128 = arith.constant 1 : i32
    scf.for %while3A_130 = %while3A_121 to %while3A_127 step %while3A_128  : i32 {
      %mul3A_131 = arith.constant 2 : i32
      %mul3A_132 = arith.muli %mul3A_131, %while3A_130 : i32
      %dma_start3A = arith.constant 0 : i32
      %dma_start3A_133 = tpu.memref_slice %arg11[%mul3A_132, %dma_start3A] : memref<50x64xi32, #tpu.memory_space<vmem>> -> memref<1x64xi32, #tpu.memory_space<vmem>>
      %dma_start3A_134 = tpu.memref_squeeze %dma_start3A_133 : memref<1x64xi32, #tpu.memory_space<vmem>> -> memref<64xi32, #tpu.memory_space<vmem>>
      %dma_start3A_135 = arith.constant 0 : i32
      %dma_start3A_136 = arith.constant 0 : i32
      %dma_start3A_137 = tpu.memref_slice %arg3[%dma_start3A_135, %dma_start3A_136] : memref<16384x512xf32, #tpu.memory_space<hbm>> -> memref<16384x512xf32, #tpu.memory_space<hbm>>
      tpu.enqueue_indirect_dma source(%dma_start3A_137 : memref<16384x512xf32, #tpu.memory_space<hbm>>) target(%arg13 : memref<64x512xf32, #tpu.memory_space<vmem>>) offsets(%dma_start3A_134 : memref<64xi32, #tpu.memory_space<vmem>>) semaphore(%arg17 : memref<!tpu.dma_semaphore, #tpu.memory_space<semaphore_mem>>)
      %add3A_138 = arith.constant 1 : i32
      %add3A_139 = arith.addi %mul3A_132, %add3A_138 : i32
      %dma_start3A_140 = arith.constant 0 : i32
      %dma_start3A_141 = tpu.memref_slice %arg11[%add3A_139, %dma_start3A_140] : memref<50x64xi32, #tpu.memory_space<vmem>> -> memref<1x64xi32, #tpu.memory_space<vmem>>
      %dma_start3A_142 = tpu.memref_squeeze %dma_start3A_141 : memref<1x64xi32, #tpu.memory_space<vmem>> -> memref<64xi32, #tpu.memory_space<vmem>>
      %dma_start3A_143 = arith.constant 0 : i32
      %dma_start3A_144 = arith.constant 0 : i32
      %dma_start3A_145 = tpu.memref_slice %arg3[%dma_start3A_143, %dma_start3A_144] : memref<16384x512xf32, #tpu.memory_space<hbm>> -> memref<16384x512xf32, #tpu.memory_space<hbm>>
      tpu.enqueue_indirect_dma source(%dma_start3A_145 : memref<16384x512xf32, #tpu.memory_space<hbm>>) target(%arg14 : memref<64x512xf32, #tpu.memory_space<vmem>>) offsets(%dma_start3A_142 : memref<64xi32, #tpu.memory_space<vmem>>) semaphore(%arg18 : memref<!tpu.dma_semaphore, #tpu.memory_space<semaphore_mem>>)
      %dma_wait3A = arith.constant 0 : i32
      %dma_wait3A_146 = tpu.memref_slice %arg11[%mul3A_132, %dma_wait3A] : memref<50x64xi32, #tpu.memory_space<vmem>> -> memref<1x64xi32, #tpu.memory_space<vmem>>
      %dma_wait3A_147 = tpu.memref_squeeze %dma_wait3A_146 : memref<1x64xi32, #tpu.memory_space<vmem>> -> memref<64xi32, #tpu.memory_space<vmem>>
      %dma_wait3A_148 = arith.constant 0 : i32
      %dma_wait3A_149 = arith.constant 0 : i32
      %dma_wait3A_150 = tpu.memref_slice %arg3[%dma_wait3A_148, %dma_wait3A_149] : memref<16384x512xf32, #tpu.memory_space<hbm>> -> memref<16384x512xf32, #tpu.memory_space<hbm>>
      tpu.wait_indirect_dma semaphore(%arg17 : memref<!tpu.dma_semaphore, #tpu.memory_space<semaphore_mem>>) src(%dma_wait3A_150 : memref<16384x512xf32, #tpu.memory_space<hbm>>) dst(%arg13 : memref<64x512xf32, #tpu.memory_space<vmem>>)
      %dma_start3A_151 = arith.constant 0 : i32
      %dma_start3A_152 = tpu.memref_slice %arg12[%mul3A_132, %dma_start3A_151] : memref<50x64xi32, #tpu.memory_space<vmem>> -> memref<1x64xi32, #tpu.memory_space<vmem>>
      %dma_start3A_153 = tpu.memref_squeeze %dma_start3A_152 : memref<1x64xi32, #tpu.memory_space<vmem>> -> memref<64xi32, #tpu.memory_space<vmem>>
      %dma_start3A_154 = arith.constant 0 : i32
      %dma_start3A_155 = arith.constant 0 : i32
      %dma_start3A_156 = tpu.memref_slice %arg5[%dma_start3A_154, %dma_start3A_155] : memref<100000x512xf32, #tpu.memory_space<hbm>> -> memref<100000x512xf32, #tpu.memory_space<hbm>>
      tpu.enqueue_indirect_dma source(%arg13 : memref<64x512xf32, #tpu.memory_space<vmem>>) target(%dma_start3A_156 : memref<100000x512xf32, #tpu.memory_space<hbm>>) offsets(%dma_start3A_153 : memref<64xi32, #tpu.memory_space<vmem>>) semaphore(%arg17 : memref<!tpu.dma_semaphore, #tpu.memory_space<semaphore_mem>>)
      %dma_wait3A_157 = arith.constant 0 : i32
      %dma_wait3A_158 = tpu.memref_slice %arg11[%add3A_139, %dma_wait3A_157] : memref<50x64xi32, #tpu.memory_space<vmem>> -> memref<1x64xi32, #tpu.memory_space<vmem>>
      %dma_wait3A_159 = tpu.memref_squeeze %dma_wait3A_158 : memref<1x64xi32, #tpu.memory_space<vmem>> -> memref<64xi32, #tpu.memory_space<vmem>>
      %dma_wait3A_160 = arith.constant 0 : i32
      %dma_wait3A_161 = arith.constant 0 : i32
      %dma_wait3A_162 = tpu.memref_slice %arg3[%dma_wait3A_160, %dma_wait3A_161] : memref<16384x512xf32, #tpu.memory_space<hbm>> -> memref<16384x512xf32, #tpu.memory_space<hbm>>
      tpu.wait_indirect_dma semaphore(%arg18 : memref<!tpu.dma_semaphore, #tpu.memory_space<semaphore_mem>>) src(%dma_wait3A_162 : memref<16384x512xf32, #tpu.memory_space<hbm>>) dst(%arg14 : memref<64x512xf32, #tpu.memory_space<vmem>>)
      %add3A_163 = arith.constant 1 : i32
      %add3A_164 = arith.addi %mul3A_132, %add3A_163 : i32
      %dma_start3A_165 = arith.constant 0 : i32
      %dma_start3A_166 = tpu.memref_slice %arg12[%add3A_164, %dma_start3A_165] : memref<50x64xi32, #tpu.memory_space<vmem>> -> memref<1x64xi32, #tpu.memory_space<vmem>>
      %dma_start3A_167 = tpu.memref_squeeze %dma_start3A_166 : memref<1x64xi32, #tpu.memory_space<vmem>> -> memref<64xi32, #tpu.memory_space<vmem>>
      %dma_start3A_168 = arith.constant 0 : i32
      %dma_start3A_169 = arith.constant 0 : i32
      %dma_start3A_170 = tpu.memref_slice %arg5[%dma_start3A_168, %dma_start3A_169] : memref<100000x512xf32, #tpu.memory_space<hbm>> -> memref<100000x512xf32, #tpu.memory_space<hbm>>
      tpu.enqueue_indirect_dma source(%arg14 : memref<64x512xf32, #tpu.memory_space<vmem>>) target(%dma_start3A_170 : memref<100000x512xf32, #tpu.memory_space<hbm>>) offsets(%dma_start3A_167 : memref<64xi32, #tpu.memory_space<vmem>>) semaphore(%arg18 : memref<!tpu.dma_semaphore, #tpu.memory_space<semaphore_mem>>)
      %dma_wait3A_171 = arith.constant 0 : i32
      %dma_wait3A_172 = tpu.memref_slice %arg12[%mul3A_132, %dma_wait3A_171] : memref<50x64xi32, #tpu.memory_space<vmem>> -> memref<1x64xi32, #tpu.memory_space<vmem>>
      %dma_wait3A_173 = tpu.memref_squeeze %dma_wait3A_172 : memref<1x64xi32, #tpu.memory_space<vmem>> -> memref<64xi32, #tpu.memory_space<vmem>>
      %dma_wait3A_174 = arith.constant 0 : i32
      %dma_wait3A_175 = arith.constant 0 : i32
      %dma_wait3A_176 = tpu.memref_slice %arg5[%dma_wait3A_174, %dma_wait3A_175] : memref<100000x512xf32, #tpu.memory_space<hbm>> -> memref<100000x512xf32, #tpu.memory_space<hbm>>
      tpu.wait_indirect_dma semaphore(%arg17 : memref<!tpu.dma_semaphore, #tpu.memory_space<semaphore_mem>>) src(%arg13 : memref<64x512xf32, #tpu.memory_space<vmem>>) dst(%dma_wait3A_176 : memref<100000x512xf32, #tpu.memory_space<hbm>>)
      %dma_wait3A_177 = arith.constant 0 : i32
      %dma_wait3A_178 = tpu.memref_slice %arg12[%add3A_164, %dma_wait3A_177] : memref<50x64xi32, #tpu.memory_space<vmem>> -> memref<1x64xi32, #tpu.memory_space<vmem>>
      %dma_wait3A_179 = tpu.memref_squeeze %dma_wait3A_178 : memref<1x64xi32, #tpu.memory_space<vmem>> -> memref<64xi32, #tpu.memory_space<vmem>>
      %dma_wait3A_180 = arith.constant 0 : i32
      %dma_wait3A_181 = arith.constant 0 : i32
      %dma_wait3A_182 = tpu.memref_slice %arg5[%dma_wait3A_180, %dma_wait3A_181] : memref<100000x512xf32, #tpu.memory_space<hbm>> -> memref<100000x512xf32, #tpu.memory_space<hbm>>
      tpu.wait_indirect_dma semaphore(%arg18 : memref<!tpu.dma_semaphore, #tpu.memory_space<semaphore_mem>>) src(%arg14 : memref<64x512xf32, #tpu.memory_space<vmem>>) dst(%dma_wait3A_182 : memref<100000x512xf32, #tpu.memory_space<hbm>>)
    }
    %while3A_129 = arith.constant 1 : i32
    scf.for %while3A_130 = %while3A_127 to %while3A_123 step %while3A_129  : i32 {
      %mul3A_131 = arith.constant 2 : i32
      %mul3A_132 = arith.muli %mul3A_131, %while3A_130 : i32
      %dma_start3A = arith.constant 0 : i32
      %dma_start3A_133 = tpu.memref_slice %arg11[%mul3A_132, %dma_start3A] : memref<50x64xi32, #tpu.memory_space<vmem>> -> memref<1x64xi32, #tpu.memory_space<vmem>>
      %dma_start3A_134 = tpu.memref_squeeze %dma_start3A_133 : memref<1x64xi32, #tpu.memory_space<vmem>> -> memref<64xi32, #tpu.memory_space<vmem>>
      %dma_start3A_135 = arith.constant 0 : i32
      %dma_start3A_136 = arith.constant 0 : i32
      %dma_start3A_137 = tpu.memref_slice %arg3[%dma_start3A_135, %dma_start3A_136] : memref<16384x512xf32, #tpu.memory_space<hbm>> -> memref<16384x512xf32, #tpu.memory_space<hbm>>
      tpu.enqueue_indirect_dma source(%dma_start3A_137 : memref<16384x512xf32, #tpu.memory_space<hbm>>) target(%arg13 : memref<64x512xf32, #tpu.memory_space<vmem>>) offsets(%dma_start3A_134 : memref<64xi32, #tpu.memory_space<vmem>>) semaphore(%arg17 : memref<!tpu.dma_semaphore, #tpu.memory_space<semaphore_mem>>)
      %add3A_138 = arith.constant 1 : i32
      %add3A_139 = arith.addi %mul3A_132, %add3A_138 : i32
      %dma_start3A_140 = arith.constant 0 : i32
      %dma_start3A_141 = tpu.memref_slice %arg11[%add3A_139, %dma_start3A_140] : memref<50x64xi32, #tpu.memory_space<vmem>> -> memref<1x64xi32, #tpu.memory_space<vmem>>
      %dma_start3A_142 = tpu.memref_squeeze %dma_start3A_141 : memref<1x64xi32, #tpu.memory_space<vmem>> -> memref<64xi32, #tpu.memory_space<vmem>>
      %dma_start3A_143 = arith.constant 0 : i32
      %dma_start3A_144 = arith.constant 0 : i32
      %dma_start3A_145 = tpu.memref_slice %arg3[%dma_start3A_143, %dma_start3A_144] : memref<16384x512xf32, #tpu.memory_space<hbm>> -> memref<16384x512xf32, #tpu.memory_space<hbm>>
      tpu.enqueue_indirect_dma source(%dma_start3A_145 : memref<16384x512xf32, #tpu.memory_space<hbm>>) target(%arg14 : memref<64x512xf32, #tpu.memory_space<vmem>>) offsets(%dma_start3A_142 : memref<64xi32, #tpu.memory_space<vmem>>) semaphore(%arg18 : memref<!tpu.dma_semaphore, #tpu.memory_space<semaphore_mem>>)
      %dma_wait3A = arith.constant 0 : i32
      %dma_wait3A_146 = tpu.memref_slice %arg11[%mul3A_132, %dma_wait3A] : memref<50x64xi32, #tpu.memory_space<vmem>> -> memref<1x64xi32, #tpu.memory_space<vmem>>
      %dma_wait3A_147 = tpu.memref_squeeze %dma_wait3A_146 : memref<1x64xi32, #tpu.memory_space<vmem>> -> memref<64xi32, #tpu.memory_space<vmem>>
      %dma_wait3A_148 = arith.constant 0 : i32
      %dma_wait3A_149 = arith.constant 0 : i32
      %dma_wait3A_150 = tpu.memref_slice %arg3[%dma_wait3A_148, %dma_wait3A_149] : memref<16384x512xf32, #tpu.memory_space<hbm>> -> memref<16384x512xf32, #tpu.memory_space<hbm>>
      tpu.wait_indirect_dma semaphore(%arg17 : memref<!tpu.dma_semaphore, #tpu.memory_space<semaphore_mem>>) src(%dma_wait3A_150 : memref<16384x512xf32, #tpu.memory_space<hbm>>) dst(%arg13 : memref<64x512xf32, #tpu.memory_space<vmem>>)
      %dma_start3A_151 = arith.constant 0 : i32
      %dma_start3A_152 = tpu.memref_slice %arg12[%mul3A_132, %dma_start3A_151] : memref<50x64xi32, #tpu.memory_space<vmem>> -> memref<1x64xi32, #tpu.memory_space<vmem>>
      %dma_start3A_153 = tpu.memref_squeeze %dma_start3A_152 : memref<1x64xi32, #tpu.memory_space<vmem>> -> memref<64xi32, #tpu.memory_space<vmem>>
      %dma_start3A_154 = arith.constant 0 : i32
      %dma_start3A_155 = arith.constant 0 : i32
      %dma_start3A_156 = tpu.memref_slice %arg5[%dma_start3A_154, %dma_start3A_155] : memref<100000x512xf32, #tpu.memory_space<hbm>> -> memref<100000x512xf32, #tpu.memory_space<hbm>>
      tpu.enqueue_indirect_dma source(%arg13 : memref<64x512xf32, #tpu.memory_space<vmem>>) target(%dma_start3A_156 : memref<100000x512xf32, #tpu.memory_space<hbm>>) offsets(%dma_start3A_153 : memref<64xi32, #tpu.memory_space<vmem>>) semaphore(%arg17 : memref<!tpu.dma_semaphore, #tpu.memory_space<semaphore_mem>>)
      %dma_wait3A_157 = arith.constant 0 : i32
      %dma_wait3A_158 = tpu.memref_slice %arg11[%add3A_139, %dma_wait3A_157] : memref<50x64xi32, #tpu.memory_space<vmem>> -> memref<1x64xi32, #tpu.memory_space<vmem>>
      %dma_wait3A_159 = tpu.memref_squeeze %dma_wait3A_158 : memref<1x64xi32, #tpu.memory_space<vmem>> -> memref<64xi32, #tpu.memory_space<vmem>>
      %dma_wait3A_160 = arith.constant 0 : i32
      %dma_wait3A_161 = arith.constant 0 : i32
      %dma_wait3A_162 = tpu.memref_slice %arg3[%dma_wait3A_160, %dma_wait3A_161] : memref<16384x512xf32, #tpu.memory_space<hbm>> -> memref<16384x512xf32, #tpu.memory_space<hbm>>
      tpu.wait_indirect_dma semaphore(%arg18 : memref<!tpu.dma_semaphore, #tpu.memory_space<semaphore_mem>>) src(%dma_wait3A_162 : memref<16384x512xf32, #tpu.memory_space<hbm>>) dst(%arg14 : memref<64x512xf32, #tpu.memory_space<vmem>>)
      %add3A_163 = arith.constant 1 : i32
      %add3A_164 = arith.addi %mul3A_132, %add3A_163 : i32
      %dma_start3A_165 = arith.constant 0 : i32
      %dma_start3A_166 = tpu.memref_slice %arg12[%add3A_164, %dma_start3A_165] : memref<50x64xi32, #tpu.memory_space<vmem>> -> memref<1x64xi32, #tpu.memory_space<vmem>>
      %dma_start3A_167 = tpu.memref_squeeze %dma_start3A_166 : memref<1x64xi32, #tpu.memory_space<vmem>> -> memref<64xi32, #tpu.memory_space<vmem>>
      %dma_start3A_168 = arith.constant 0 : i32
      %dma_start3A_169 = arith.constant 0 : i32
      %dma_start3A_170 = tpu.memref_slice %arg5[%dma_start3A_168, %dma_start3A_169] : memref<100000x512xf32, #tpu.memory_space<hbm>> -> memref<100000x512xf32, #tpu.memory_space<hbm>>
      tpu.enqueue_indirect_dma source(%arg14 : memref<64x512xf32, #tpu.memory_space<vmem>>) target(%dma_start3A_170 : memref<100000x512xf32, #tpu.memory_space<hbm>>) offsets(%dma_start3A_167 : memref<64xi32, #tpu.memory_space<vmem>>) semaphore(%arg18 : memref<!tpu.dma_semaphore, #tpu.memory_space<semaphore_mem>>)
      %dma_wait3A_171 = arith.constant 0 : i32
      %dma_wait3A_172 = tpu.memref_slice %arg12[%mul3A_132, %dma_wait3A_171] : memref<50x64xi32, #tpu.memory_space<vmem>> -> memref<1x64xi32, #tpu.memory_space<vmem>>
      %dma_wait3A_173 = tpu.memref_squeeze %dma_wait3A_172 : memref<1x64xi32, #tpu.memory_space<vmem>> -> memref<64xi32, #tpu.memory_space<vmem>>
      %dma_wait3A_174 = arith.constant 0 : i32
      %dma_wait3A_175 = arith.constant 0 : i32
      %dma_wait3A_176 = tpu.memref_slice %arg5[%dma_wait3A_174, %dma_wait3A_175] : memref<100000x512xf32, #tpu.memory_space<hbm>> -> memref<100000x512xf32, #tpu.memory_space<hbm>>
      tpu.wait_indirect_dma semaphore(%arg17 : memref<!tpu.dma_semaphore, #tpu.memory_space<semaphore_mem>>) src(%arg13 : memref<64x512xf32, #tpu.memory_space<vmem>>) dst(%dma_wait3A_176 : memref<100000x512xf32, #tpu.memory_space<hbm>>)
      %dma_wait3A_177 = arith.constant 0 : i32
      %dma_wait3A_178 = tpu.memref_slice %arg12[%add3A_164, %dma_wait3A_177] : memref<50x64xi32, #tpu.memory_space<vmem>> -> memref<1x64xi32, #tpu.memory_space<vmem>>
      %dma_wait3A_179 = tpu.memref_squeeze %dma_wait3A_178 : memref<1x64xi32, #tpu.memory_space<vmem>> -> memref<64xi32, #tpu.memory_space<vmem>>
      %dma_wait3A_180 = arith.constant 0 : i32
      %dma_wait3A_181 = arith.constant 0 : i32
      %dma_wait3A_182 = tpu.memref_slice %arg5[%dma_wait3A_180, %dma_wait3A_181] : memref<100000x512xf32, #tpu.memory_space<hbm>> -> memref<100000x512xf32, #tpu.memory_space<hbm>>
      tpu.wait_indirect_dma semaphore(%arg18 : memref<!tpu.dma_semaphore, #tpu.memory_space<semaphore_mem>>) src(%arg14 : memref<64x512xf32, #tpu.memory_space<vmem>>) dst(%dma_wait3A_182 : memref<100000x512xf32, #tpu.memory_space<hbm>>)
    }
    return
  }
}

#map = affine_map<(d0, d1) -> (0, 0)>
#map1 = affine_map<(d0, d1) -> (0)>
module attributes {stable_mosaic.version = 14 : i64} {
  func.func @_gather_rows(%arg0: i32, %arg1: i32, %arg2: memref<100000x512xf32, #tpu.memory_space<hbm>>, %arg3: memref<16384xi32, #tpu.memory_space<hbm>>, %arg4: memref<16384x512xf32, #tpu.memory_space<hbm>>, %arg5: memref<64xi32, #tpu.memory_space<vmem>>, %arg6: memref<64xi32, #tpu.memory_space<vmem>>, %arg7: memref<64x512xf32, #tpu.memory_space<vmem>>, %arg8: memref<64x512xf32, #tpu.memory_space<vmem>>, %arg9: memref<!tpu.dma_semaphore, #tpu.memory_space<semaphore_mem>>, %arg10: memref<!tpu.dma_semaphore, #tpu.memory_space<semaphore_mem>>) attributes {dimension_semantics = [#tpu.dimension_semantics<core_parallel>, #tpu.dimension_semantics<subcore_parallel>], iteration_bounds = array<i64: 2, 16>, scalar_prefetch = 0 : i64, scratch_operands = 6 : i64, tpu.core_type = #tpu.core_type<sc_vector_subcore>, window_params = [{transform_indices = #map}, {transform_indices = #map1}, {transform_indices = #map}]} {
    %mul3A = arith.constant 2 : i32
    %mul3A_0 = arith.muli %arg1, %mul3A : i32
    %add3A = arith.addi %mul3A_0, %arg0 : i32
    %mul3A_1 = arith.constant 512 : i32
    %mul3A_2 = arith.muli %add3A, %mul3A_1 : i32
    %scan3A = arith.constant 0 : i32
    %scan3A_3 = arith.constant 0 : i32
    %scan3A_4 = arith.constant 4 : i32
    %scan3A_5 = arith.addi %scan3A_3, %scan3A_4 : i32
    %scan3A_6 = arith.constant 1 : i32
    scf.for %scan3A_8 = %scan3A_3 to %scan3A_5 step %scan3A_6  : i32 {
      %mul3A_9 = arith.constant 2 : i32
      %mul3A_10 = arith.muli %mul3A_9, %scan3A_8 : i32
      %mul3A_11 = arith.constant 64 : i32
      %mul3A_12 = arith.muli %mul3A_10, %mul3A_11 : i32
      %add3A_13 = arith.addi %mul3A_2, %mul3A_12 : i32
      %add3A_14 = arith.constant 64 : i32
      %add3A_15 = arith.addi %add3A_13, %add3A_14 : i32
      "tpu.region"() ({
        %run_scoped3A = tpu.sem_alloc : memref<!tpu.dma_semaphore, #tpu.memory_space<semaphore_mem>>
        %dma_start3A_42 = tpu.memref_slice %arg3[%add3A_13] : memref<16384xi32, #tpu.memory_space<hbm>> -> memref<64xi32, #tpu.memory_space<hbm>>
        %dma_start3A_43 = tpu.memref_slice %arg3[%add3A_13] : memref<16384xi32, #tpu.memory_space<hbm>> -> memref<64xi32, #tpu.memory_space<hbm>>
        tpu.enqueue_dma source(%dma_start3A_43 : memref<64xi32, #tpu.memory_space<hbm>>) target(%arg5 : memref<64xi32, #tpu.memory_space<vmem>>) target_semaphore(%run_scoped3A : memref<!tpu.dma_semaphore, #tpu.memory_space<semaphore_mem>>)
        %dma_wait3A_44 = tpu.memref_slice %arg3[%add3A_13] : memref<16384xi32, #tpu.memory_space<hbm>> -> memref<64xi32, #tpu.memory_space<hbm>>
        %dma_wait3A_45 = tpu.memref_slice %arg3[%add3A_13] : memref<16384xi32, #tpu.memory_space<hbm>> -> memref<64xi32, #tpu.memory_space<hbm>>
        tpu.wait_dma2 semaphore(%run_scoped3A : memref<!tpu.dma_semaphore, #tpu.memory_space<semaphore_mem>>) src(%dma_wait3A_45 : memref<64xi32, #tpu.memory_space<hbm>>) dst(%arg5 : memref<64xi32, #tpu.memory_space<vmem>>)
        tpu.yield
      }) : () -> ()
      "tpu.region"() ({
        %run_scoped3A = tpu.sem_alloc : memref<!tpu.dma_semaphore, #tpu.memory_space<semaphore_mem>>
        %dma_start3A_42 = tpu.memref_slice %arg3[%add3A_15] : memref<16384xi32, #tpu.memory_space<hbm>> -> memref<64xi32, #tpu.memory_space<hbm>>
        %dma_start3A_43 = tpu.memref_slice %arg3[%add3A_15] : memref<16384xi32, #tpu.memory_space<hbm>> -> memref<64xi32, #tpu.memory_space<hbm>>
        tpu.enqueue_dma source(%dma_start3A_43 : memref<64xi32, #tpu.memory_space<hbm>>) target(%arg6 : memref<64xi32, #tpu.memory_space<vmem>>) target_semaphore(%run_scoped3A : memref<!tpu.dma_semaphore, #tpu.memory_space<semaphore_mem>>)
        %dma_wait3A_44 = tpu.memref_slice %arg3[%add3A_15] : memref<16384xi32, #tpu.memory_space<hbm>> -> memref<64xi32, #tpu.memory_space<hbm>>
        %dma_wait3A_45 = tpu.memref_slice %arg3[%add3A_15] : memref<16384xi32, #tpu.memory_space<hbm>> -> memref<64xi32, #tpu.memory_space<hbm>>
        tpu.wait_dma2 semaphore(%run_scoped3A : memref<!tpu.dma_semaphore, #tpu.memory_space<semaphore_mem>>) src(%dma_wait3A_45 : memref<64xi32, #tpu.memory_space<hbm>>) dst(%arg6 : memref<64xi32, #tpu.memory_space<vmem>>)
        tpu.yield
      }) : () -> ()
      %dma_start3A = arith.constant 0 : i32
      %dma_start3A_16 = arith.constant 0 : i32
      %dma_start3A_17 = tpu.memref_slice %arg2[%dma_start3A, %dma_start3A_16] : memref<100000x512xf32, #tpu.memory_space<hbm>> -> memref<100000x512xf32, #tpu.memory_space<hbm>>
      tpu.enqueue_indirect_dma source(%dma_start3A_17 : memref<100000x512xf32, #tpu.memory_space<hbm>>) target(%arg7 : memref<64x512xf32, #tpu.memory_space<vmem>>) offsets(%arg5 : memref<64xi32, #tpu.memory_space<vmem>>) semaphore(%arg9 : memref<!tpu.dma_semaphore, #tpu.memory_space<semaphore_mem>>)
      %dma_start3A_18 = arith.constant 0 : i32
      %dma_start3A_19 = arith.constant 0 : i32
      %dma_start3A_20 = tpu.memref_slice %arg2[%dma_start3A_18, %dma_start3A_19] : memref<100000x512xf32, #tpu.memory_space<hbm>> -> memref<100000x512xf32, #tpu.memory_space<hbm>>
      tpu.enqueue_indirect_dma source(%dma_start3A_20 : memref<100000x512xf32, #tpu.memory_space<hbm>>) target(%arg8 : memref<64x512xf32, #tpu.memory_space<vmem>>) offsets(%arg6 : memref<64xi32, #tpu.memory_space<vmem>>) semaphore(%arg10 : memref<!tpu.dma_semaphore, #tpu.memory_space<semaphore_mem>>)
      %dma_wait3A = arith.constant 0 : i32
      %dma_wait3A_21 = arith.constant 0 : i32
      %dma_wait3A_22 = tpu.memref_slice %arg2[%dma_wait3A, %dma_wait3A_21] : memref<100000x512xf32, #tpu.memory_space<hbm>> -> memref<100000x512xf32, #tpu.memory_space<hbm>>
      tpu.wait_indirect_dma semaphore(%arg9 : memref<!tpu.dma_semaphore, #tpu.memory_space<semaphore_mem>>) src(%dma_wait3A_22 : memref<100000x512xf32, #tpu.memory_space<hbm>>) dst(%arg7 : memref<64x512xf32, #tpu.memory_space<vmem>>)
      %dma_start3A_23 = arith.constant 0 : i32
      %dma_start3A_24 = tpu.memref_slice %arg4[%add3A_13, %dma_start3A_23] : memref<16384x512xf32, #tpu.memory_space<hbm>> -> memref<64x512xf32, #tpu.memory_space<hbm>>
      %dma_start3A_25 = arith.constant 0 : i32
      %dma_start3A_26 = tpu.memref_slice %arg4[%add3A_13, %dma_start3A_25] : memref<16384x512xf32, #tpu.memory_space<hbm>> -> memref<64x512xf32, #tpu.memory_space<hbm>>
      tpu.enqueue_dma source(%arg7 : memref<64x512xf32, #tpu.memory_space<vmem>>) target(%dma_start3A_26 : memref<64x512xf32, #tpu.memory_space<hbm>>) target_semaphore(%arg9 : memref<!tpu.dma_semaphore, #tpu.memory_space<semaphore_mem>>)
      %dma_wait3A_27 = arith.constant 0 : i32
      %dma_wait3A_28 = arith.constant 0 : i32
      %dma_wait3A_29 = tpu.memref_slice %arg2[%dma_wait3A_27, %dma_wait3A_28] : memref<100000x512xf32, #tpu.memory_space<hbm>> -> memref<100000x512xf32, #tpu.memory_space<hbm>>
      tpu.wait_indirect_dma semaphore(%arg10 : memref<!tpu.dma_semaphore, #tpu.memory_space<semaphore_mem>>) src(%dma_wait3A_29 : memref<100000x512xf32, #tpu.memory_space<hbm>>) dst(%arg8 : memref<64x512xf32, #tpu.memory_space<vmem>>)
      %dma_start3A_30 = arith.constant 0 : i32
      %dma_start3A_31 = tpu.memref_slice %arg4[%add3A_15, %dma_start3A_30] : memref<16384x512xf32, #tpu.memory_space<hbm>> -> memref<64x512xf32, #tpu.memory_space<hbm>>
      %dma_start3A_32 = arith.constant 0 : i32
      %dma_start3A_33 = tpu.memref_slice %arg4[%add3A_15, %dma_start3A_32] : memref<16384x512xf32, #tpu.memory_space<hbm>> -> memref<64x512xf32, #tpu.memory_space<hbm>>
      tpu.enqueue_dma source(%arg8 : memref<64x512xf32, #tpu.memory_space<vmem>>) target(%dma_start3A_33 : memref<64x512xf32, #tpu.memory_space<hbm>>) target_semaphore(%arg10 : memref<!tpu.dma_semaphore, #tpu.memory_space<semaphore_mem>>)
      %dma_wait3A_34 = arith.constant 0 : i32
      %dma_wait3A_35 = tpu.memref_slice %arg4[%add3A_13, %dma_wait3A_34] : memref<16384x512xf32, #tpu.memory_space<hbm>> -> memref<64x512xf32, #tpu.memory_space<hbm>>
      %dma_wait3A_36 = arith.constant 0 : i32
      %dma_wait3A_37 = tpu.memref_slice %arg4[%add3A_13, %dma_wait3A_36] : memref<16384x512xf32, #tpu.memory_space<hbm>> -> memref<64x512xf32, #tpu.memory_space<hbm>>
      tpu.wait_dma2 semaphore(%arg9 : memref<!tpu.dma_semaphore, #tpu.memory_space<semaphore_mem>>) src(%arg7 : memref<64x512xf32, #tpu.memory_space<vmem>>) dst(%dma_wait3A_37 : memref<64x512xf32, #tpu.memory_space<hbm>>)
      %dma_wait3A_38 = arith.constant 0 : i32
      %dma_wait3A_39 = tpu.memref_slice %arg4[%add3A_15, %dma_wait3A_38] : memref<16384x512xf32, #tpu.memory_space<hbm>> -> memref<64x512xf32, #tpu.memory_space<hbm>>
      %dma_wait3A_40 = arith.constant 0 : i32
      %dma_wait3A_41 = tpu.memref_slice %arg4[%add3A_15, %dma_wait3A_40] : memref<16384x512xf32, #tpu.memory_space<hbm>> -> memref<64x512xf32, #tpu.memory_space<hbm>>
      tpu.wait_dma2 semaphore(%arg10 : memref<!tpu.dma_semaphore, #tpu.memory_space<semaphore_mem>>) src(%arg8 : memref<64x512xf32, #tpu.memory_space<vmem>>) dst(%dma_wait3A_41 : memref<64x512xf32, #tpu.memory_space<hbm>>)
    }
    %scan3A_7 = arith.constant 4 : i32
    return
  }
}

module attributes {stable_mosaic.version = 14 : i64} {
  func.func @_gru_body(%arg0: i32, %arg1: memref<1024x512xf32, #tpu.memory_space<vmem>>, %arg2: memref<1024x512xf32, #tpu.memory_space<vmem>>, %arg3: memref<1536x512xf32, #tpu.memory_space<vmem>>, %arg4: memref<1536x512xf32, #tpu.memory_space<vmem>>, %arg5: memref<1x1536xf32, #tpu.memory_space<vmem>>, %arg6: memref<1x1536xf32, #tpu.memory_space<vmem>>, %arg7: memref<1024x512xf32, #tpu.memory_space<vmem>>) attributes {dimension_semantics = [#tpu.dimension_semantics<arbitrary>], iteration_bounds = array<i64: 16>, scalar_prefetch = 0 : i64, scratch_operands = 0 : i64, tpu.core_type = #tpu.core_type<tc>, window_params = [{transform_indices = @transform_0, window_bounds = array<i64: 1024, 512>}, {transform_indices = @transform_1, window_bounds = array<i64: 1024, 512>}, {pipeline_mode = #tpu.pipeline_mode<synchronous>, transform_indices = @transform_2, window_bounds = array<i64: 1536, 512>}, {pipeline_mode = #tpu.pipeline_mode<synchronous>, transform_indices = @transform_3, window_bounds = array<i64: 1536, 512>}, {pipeline_mode = #tpu.pipeline_mode<synchronous>, transform_indices = @transform_4, window_bounds = array<i64: 1, 1536>}, {pipeline_mode = #tpu.pipeline_mode<synchronous>, transform_indices = @transform_5, window_bounds = array<i64: 1, 1536>}, {transform_indices = @transform_6, window_bounds = array<i64: 1024, 512>}]} {
    %get3A = arith.constant 0 : index
    %get3A_0 = arith.constant 0 : index
    %get3A_1 = vector.load %arg1[%get3A, %get3A_0] : memref<1024x512xf32, #tpu.memory_space<vmem>>, vector<1024x512xf32>
    %get3A_2 = arith.constant 0 : index
    %get3A_3 = arith.constant 0 : index
    %get3A_4 = vector.load %arg2[%get3A_2, %get3A_3] : memref<1024x512xf32, #tpu.memory_space<vmem>>, vector<1024x512xf32>
    %get3A_5 = arith.constant 0 : index
    %get3A_6 = arith.constant 0 : index
    %get3A_7 = vector.load %arg3[%get3A_5, %get3A_6] : memref<1536x512xf32, #tpu.memory_space<vmem>>, vector<1536x512xf32>
    %dot_general3A = arith.constant dense<0.000000e+00> : vector<1024x1536xf32>
    %dot_general3A_8 = tpu.matmul %get3A_1, %get3A_7, %dot_general3A {dimension_numbers = #tpu.dot_dimension_numbers<[1], [1], [0], [0], [0, 0, 1, 0], [], []>, transpose_lhs_hint = false} : vector<1024x512xf32>, vector<1536x512xf32>, vector<1024x1536xf32> -> vector<1024x1536xf32>
    %get3A_9 = arith.constant 0 : index
    %get3A_10 = arith.constant 0 : index
    %get3A_11 = vector.load %arg5[%get3A_9, %get3A_10] : memref<1x1536xf32, #tpu.memory_space<vmem>>, vector<1x1536xf32>
    %add3A = vector.broadcast %get3A_11 : vector<1x1536xf32> to vector<1024x1536xf32>
    %add3A_12 = arith.addf %dot_general3A_8, %add3A : vector<1024x1536xf32>
    %get3A_13 = arith.constant 0 : index
    %get3A_14 = arith.constant 0 : index
    %get3A_15 = vector.load %arg4[%get3A_13, %get3A_14] : memref<1536x512xf32, #tpu.memory_space<vmem>>, vector<1536x512xf32>
    %dot_general3A_16 = arith.constant dense<0.000000e+00> : vector<1024x1536xf32>
    %dot_general3A_17 = tpu.matmul %get3A_4, %get3A_15, %dot_general3A_16 {dimension_numbers = #tpu.dot_dimension_numbers<[1], [1], [0], [0], [0, 0, 1, 0], [], []>, transpose_lhs_hint = false} : vector<1024x512xf32>, vector<1536x512xf32>, vector<1024x1536xf32> -> vector<1024x1536xf32>
    %get3A_18 = arith.constant 0 : index
    %get3A_19 = arith.constant 0 : index
    %get3A_20 = vector.load %arg6[%get3A_18, %get3A_19] : memref<1x1536xf32, #tpu.memory_space<vmem>>, vector<1x1536xf32>
    %add3A_21 = vector.broadcast %get3A_20 : vector<1x1536xf32> to vector<1024x1536xf32>
    %add3A_22 = arith.addf %dot_general3A_17, %add3A_21 : vector<1024x1536xf32>
    %slice3A = vector.extract_strided_slice %add3A_12 {offsets = [0, 0], sizes = [1024, 512], strides = [1, 1]} : vector<1024x1536xf32> to vector<1024x512xf32>
    %slice3A_23 = vector.extract_strided_slice %add3A_22 {offsets = [0, 0], sizes = [1024, 512], strides = [1, 1]} : vector<1024x1536xf32> to vector<1024x512xf32>
    %add3A_24 = arith.addf %slice3A, %slice3A_23 : vector<1024x512xf32>
    %logistic3A = arith.negf %add3A_24 : vector<1024x512xf32>
    %logistic3A_25 = math.exp %logistic3A : vector<1024x512xf32>
    %logistic3A_26 = arith.constant 1.000000e+00 : f32
    %logistic3A_27 = vector.broadcast %logistic3A_26 : f32 to vector<1024x512xf32>
    %logistic3A_28 = arith.addf %logistic3A_27, %logistic3A_25 : vector<1024x512xf32>
    %logistic3A_29 = arith.divf %logistic3A_27, %logistic3A_28 : vector<1024x512xf32>
    %slice3A_30 = vector.extract_strided_slice %add3A_12 {offsets = [0, 512], sizes = [1024, 512], strides = [1, 1]} : vector<1024x1536xf32> to vector<1024x512xf32>
    %slice3A_31 = vector.extract_strided_slice %add3A_22 {offsets = [0, 512], sizes = [1024, 512], strides = [1, 1]} : vector<1024x1536xf32> to vector<1024x512xf32>
    %add3A_32 = arith.addf %slice3A_30, %slice3A_31 : vector<1024x512xf32>
    %logistic3A_33 = arith.negf %add3A_32 : vector<1024x512xf32>
    %logistic3A_34 = math.exp %logistic3A_33 : vector<1024x512xf32>
    %logistic3A_35 = arith.constant 1.000000e+00 : f32
    %logistic3A_36 = vector.broadcast %logistic3A_35 : f32 to vector<1024x512xf32>
    %logistic3A_37 = arith.addf %logistic3A_36, %logistic3A_34 : vector<1024x512xf32>
    %logistic3A_38 = arith.divf %logistic3A_36, %logistic3A_37 : vector<1024x512xf32>
    %slice3A_39 = vector.extract_strided_slice %add3A_12 {offsets = [0, 1024], sizes = [1024, 512], strides = [1, 1]} : vector<1024x1536xf32> to vector<1024x512xf32>
    %slice3A_40 = vector.extract_strided_slice %add3A_22 {offsets = [0, 1024], sizes = [1024, 512], strides = [1, 1]} : vector<1024x1536xf32> to vector<1024x512xf32>
    %mul3A = arith.mulf %logistic3A_29, %slice3A_40 : vector<1024x512xf32>
    %add3A_41 = arith.addf %slice3A_39, %mul3A : vector<1024x512xf32>
    %tanh3A = math.tanh %add3A_41 : vector<1024x512xf32>
    %sub3A = arith.constant 1.000000e+00 : f32
    %sub3A_42 = vector.broadcast %sub3A : f32 to vector<1024x512xf32>
    %sub3A_43 = arith.subf %sub3A_42, %logistic3A_38 : vector<1024x512xf32>
    %mul3A_44 = arith.mulf %sub3A_43, %tanh3A : vector<1024x512xf32>
    %mul3A_45 = arith.mulf %logistic3A_38, %get3A_4 : vector<1024x512xf32>
    %add3A_46 = arith.addf %mul3A_44, %mul3A_45 : vector<1024x512xf32>
    %swap3A = arith.constant 0 : index
    %swap3A_47 = arith.constant 0 : index
    %swap3A_48 = vector.load %arg7[%swap3A, %swap3A_47] : memref<1024x512xf32, #tpu.memory_space<vmem>>, vector<1024x512xf32>
    tpu.vector_store %arg7[%swap3A, %swap3A_47], %add3A_46 {strides = array<i32>} : memref<1024x512xf32, #tpu.memory_space<vmem>>, vector<1024x512xf32>,
    return
  }
  func.func @transform_0(%arg0: i32) -> (i32, i32) {
    %c0_i32 = arith.constant 0 : i32
    %c0_i32_0 = arith.constant 0 : i32
    return %arg0, %c0_i32 : i32, i32
  }
  func.func @transform_1(%arg0: i32) -> (i32, i32) {
    %c0_i32 = arith.constant 0 : i32
    %c0_i32_0 = arith.constant 0 : i32
    return %arg0, %c0_i32 : i32, i32
  }
  func.func @transform_2(%arg0: i32) -> (i32, i32) {
    %c0_i32 = arith.constant 0 : i32
    %c0_i32_0 = arith.constant 0 : i32
    %c0_i32_1 = arith.constant 0 : i32
    return %c0_i32, %c0_i32_0 : i32, i32
  }
  func.func @transform_3(%arg0: i32) -> (i32, i32) {
    %c0_i32 = arith.constant 0 : i32
    %c0_i32_0 = arith.constant 0 : i32
    %c0_i32_1 = arith.constant 0 : i32
    return %c0_i32, %c0_i32_0 : i32, i32
  }
  func.func @transform_4(%arg0: i32) -> (i32, i32) {
    %c0_i32 = arith.constant 0 : i32
    %c0_i32_0 = arith.constant 0 : i32
    %c0_i32_1 = arith.constant 0 : i32
    return %c0_i32, %c0_i32_0 : i32, i32
  }
  func.func @transform_5(%arg0: i32) -> (i32, i32) {
    %c0_i32 = arith.constant 0 : i32
    %c0_i32_0 = arith.constant 0 : i32
    %c0_i32_1 = arith.constant 0 : i32
    return %c0_i32, %c0_i32_0 : i32, i32
  }
  func.func @transform_6(%arg0: i32) -> (i32, i32) {
    %c0_i32 = arith.constant 0 : i32
    %c0_i32_0 = arith.constant 0 : i32
    return %arg0, %c0_i32 : i32, i32
  }
}

</mosaic_0001>

<sc_bundles>
// kernel: kernel.5.cloned.1.call-start
scs
__scs_entry_jumppad:
0x0: {  	(pc) =	sbr.rel $0x88, $3  }
0x1: {  	(tag) =	ssettag $0x0;
	lr =	simm.s32 $0x1  }
0x2: {  	[smem:$0x3F98] =	sst lr;
	_ =	strace $0xD0000000  }
0x3: {  	_ = 	snop  }
0x4: {  	_ = 	snop  }
0x5: {  	_ = 	snop  }
0x6: {  	_ = 	snop  }
0x7: {  	_ = 	snop  }
__scs_overlays_trampoline_lowered:
0x8: {  	[smem:$0x3FA7] =	sst s0  }
0x9: {  	[smem:$0x3FA8] =	sst s1  }
0xa: {  	[smem:$0x3FA9] =	sst s2  }
0xb: {  	[smem:$0x3FAA] =	sst s3  }
0xc: {  	[smem:$0x3FAB] =	sst s4  }
0xd: {  	[smem:$0x3FAC] =	sst s5  }
0xe: {  	[smem:$0x3FAD] =	sst s6  }
0xf: {  	[smem:$0x3FAE] =	sst s7  }
0x10: {  	[smem:$0x3FAF] =	sst s8  }
0x11: {  	[smem:$0x3FB0] =	sst s9;
	s0 =	simm.s32 @!p0 $0x0  }
0x12: {  	s1 =	sld [smem:$0x3F96];
	s0 =	simm.s32 @p0 $0x1  }
0x13: {  	[smem:$0x3FB1] =	sst s0;
	s0 =	simm.s32 @!p1 $0x0  }
0x14: {  	s2 =	sld [smem:$0x3F95];
	s0 =	simm.s32 @p1 $0x1  }
0x15: {  	[smem:$0x3FB2] =	sst s0;
	s0 =	simm.s32 @!p2 $0x0  }
0x16: {  	s3 =	sld [smem:$0x3FDB];
	s0 =	simm.s32 @p2 $0x1  }
0x17: {  	s4 =	simm.s32 $0x1BF5;
	[smem:$0x3FB4] =	sst s0  }
0x18: {  	s0 =	sld [smem:$0x3F97];
	_ =	swait.ge [sflag:s4], $0x0  }
0x19: {  	s7 =	sld [smem:$0x3F98]  }
0x1a: {  	s8 =	sadd.s32 $0xFFFFE003, lr  }
0x1b: {  	s9 =	sadd.s32 $0xFFFFFEF7, lr;
	s5 =	simm.s32 $0xFFFFFFFF;
	p2 =	slt.u32 s8, $0xFFFFF086  }
0x1c: {  	p1 =	slt.u32 s9, $0xF7A;
	s5 =	simm.s32 @!p2 $0x0  }
0x1d: {  	s5 =	simm.s32 @p1 $0x1;
	p0 =	seq.s32 s7, s2  }
0x1e: {  	s7 =	smul.u32 @!p0 $0xF7A, s2;
	p2 =	seq.s32 @!p0 s5, $0x0  }
0x1f: {  	s9 =	smul.u32 $0xF7A, s1;
	s8 =	simm.s32 @!p0 $0x1BF5;
	p2 =	por !p2, p0  }
0x20: {  	[sflag:s8] =	ssyncset.s32 @!p0 $0xFFFFF086;
	s6 =	sadd.s32 @!p0 s3, s7;
	s7 =	simm.s32 @!p0 $0x108  }
0x21: {  	s3 =	sadd.s32 s3, s9;
	s6 =	sadd.s32 @!p0 $0x88, s6;
	s7 =	simm.s32 @p2 $0x1082  }
0x22: {  	[simem:s7], [sflag:s8] =	dma.local @!p0 [hbm:s6], $0xF7A  }
0x23: {  	s9 =	sor.u32 $0xD0000000, s2;
	s6 =	simm.s32 $0x108;
	_ =	swait.ge @!p0 [sflag:s8], $0x0  }
0x24: {  	s3 =	sadd.s32 $0x88, s3;
	s6 =	simm.s32 @!p1 $0x1082;
	[sflag:s4] =	ssyncset.s32 $0xFFFFF086  }
0x25: {  	[simem:s6], [sflag:s4] =	dma.local [hbm:s3], $0xF7A  }
0x26: {  	[smem:$0x3F98] =	sst s1;
	(tag) =	ssettag s2;
	_ =	strace s9  }
0x27: {  	s1 =	sld [smem:$0x3FA8]  }
0x28: {  	s2 =	sld [smem:$0x3FA9]  }
0x29: {  	s4 =	sld [smem:$0x3FAB]  }
0x2a: {  	p0 =	seq.s32 s5, $0x0;
	s5 =	sld [smem:$0x3FAC]  }
0x2b: {  	s6 =	sld [smem:$0x3FAD]  }
0x2c: {  	s7 =	sld [smem:$0x3FAE]  }
0x2d: {  	s3 =	simm.s32 $0x108;
	s8 =	sld [smem:$0x3FAF]  }
0x2e: {  	s3 =	simm.s32 @!p0 $0x1082;
	s9 =	sld [smem:$0x3FB0]  }
0x2f: {  	lr =	sadd.s32 s0, s3;
	s0 =	sld [smem:$0x3FA7]  }
0x30: {  	s3 =	sld [smem:$0x3FAA]  }
0x31: {  	[smem:$0x3FB3] =	sst s10  }
0x32: {  	s10 =	sld [smem:$0x3FB1];
	_ =	sdelay $0x3  }
0x33: {  	p0 =	seq.s32 s10, $0x1;
	s10 =	sld [smem:$0x3FB3];
	_ =	sdelay $0x3  }
0x34: {  	[smem:$0x3FB3] =	sst s10  }
0x35: {  	s10 =	sld [smem:$0x3FB2];
	_ =	sdelay $0x3  }
0x36: {  	p1 =	seq.s32 s10, $0x1;
	s10 =	sld [smem:$0x3FB3];
	_ =	sdelay $0x3  }
0x37: {  	[smem:$0x3FB3] =	sst s10  }
0x38: {  	s10 =	sld [smem:$0x3FB4]  }
0x39: {  	_ = 	snop;
	(pc) =	sbr.ind lr, $3  }
0x3a: {  	_ = 	snop  }
0x3b: {  	_ = 	snop  }
0x3c: {  	p2 =	seq.s32 s10, $0x1;
	s10 =	sld [smem:$0x3FB3]  }
0x3d: {  	_ =	shalt  }
0x3e: {  	_ =	shalt  }
0x3f: {  	_ =	shalt  }
0x40: {  	_ =	shalt  }
0x41: {  	_ =	shalt  }
0x42: {  	_ =	shalt  }
0x43: {  	_ =	shalt  }
0x44: {  	_ =	shalt  }
0x45: {  	_ =	shalt  }
0x46: {  	_ =	shalt  }
0x47: {  	_ =	shalt  }
0x48: {  	_ =	shalt  }
0x49: {  	_ =	shalt  }
0x4a: {  	_ =	shalt  }
0x4b: {  	_ =	shalt  }
0x4c: {  	_ =	shalt  }
0x4d: {  	_ =	shalt  }
0x4e: {  	_ =	shalt  }
0x4f: {  	_ =	shalt  }
0x50: {  	_ =	shalt  }
0x51: {  	_ =	shalt  }
0x52: {  	_ =	shalt  }
0x53: {  	_ =	shalt  }
0x54: {  	_ =	shalt  }
0x55: {  	_ =	shalt  }
0x56: {  	_ =	shalt  }
0x57: {  	_ =	shalt  }
0x58: {  	_ =	shalt  }
0x59: {  	_ =	shalt  }
0x5a: {  	_ =	shalt  }
0x5b: {  	_ =	shalt  }
0x5c: {  	_ =	shalt  }
0x5d: {  	_ =	shalt  }
0x5e: {  	_ =	shalt  }
0x5f: {  	_ =	shalt  }
0x60: {  	_ =	shalt  }
0x61: {  	_ =	shalt  }
0x62: {  	_ =	shalt  }
0x63: {  	_ =	shalt  }
0x64: {  	_ =	shalt  }
0x65: {  	_ =	shalt  }
0x66: {  	_ =	shalt  }
0x67: {  	_ =	shalt  }
0x68: {  	_ =	shalt  }
0x69: {  	_ =	shalt  }
0x6a: {  	_ =	shalt  }
0x6b: {  	_ =	shalt  }
0x6c: {  	_ =	shalt  }
0x6d: {  	_ =	shalt  }
0x6e: {  	_ =	shalt  }
0x6f: {  	_ =	shalt  }
0x70: {  	_ =	shalt  }
0x71: {  	_ =	shalt  }
0x72: {  	_ =	shalt  }
0x73: {  	_ =	shalt  }
0x74: {  	_ =	shalt  }
0x75: {  	_ =	shalt  }
0x76: {  	_ =	shalt  }
0x77: {  	_ =	shalt  }
0x78: {  	_ =	shalt  }
0x79: {  	_ =	shalt  }
0x7a: {  	_ =	shalt  }
0x7b: {  	_ =	shalt  }
0x7c: {  	_ =	shalt  }
0x7d: {  	_ =	shalt  }
0x7e: {  	_ =	shalt  }
0x7f: {  	_ =	shalt  }
0x80: {  	_ =	shalt  }
0x81: {  	_ =	shalt  }
0x82: {  	_ =	shalt  }
0x83: {  	_ =	shalt  }
0x84: {  	_ =	shalt  }
0x85: {  	_ =	shalt  }
0x86: {  	_ =	shalt  }
0x87: {  	_ =	shalt  }
.Lfunc_end0:
.L_simem_size_0:
called_computation_lowered:
.L_overlay_start_0:
0x88: {  	s2 =	sld [smem:$0x3FD9]  }
0x89: {  	s3 =	sld [smem:$0x3FFE];
	_ =	sdelay $0x1  }
0x8a: {  	s1 =	srdreg.scid  }
0x8b: {  	s0 =	sand.u32 $0x1, s1  }
0x8c: {  	s14 =	sshll.u32 s0, $0xA;
	s2 =	sadd.s32 s3, s2  }
0x8d: {  	s2 =	sadd.s32 s2, s14  }
0x8e: {  	[smem:$0x3FBF] =	sst s2  }
0x8f: {  	_ = 	snop  }
0x90: {  	s2 =	sld [smem:$0x3FD0];
	_ =	sdelay $0x2  }
0x91: {  	s4 =	simm.s32 $0xA;
	s5 =	simm.s32 $0x10;
	s15 =	sld [smem:$0x3FC9]  }
0x92: {  	[smem:s5], [sflag:s4] =	dma.local [hbm:s2], $0x1  }
0x93: {  	_ =	swait.eq [sflag:s4], $0x1  }
0x94: {  	[sflag:s4] =	ssyncset.done $0x0  }
0x95: {  	[sflag:s4] =	ssyncadd.s32 $0xFFFFFFFF  }
0x96: {  	s16 =	sld [smem:$0x10];
	(tm) =	ssettm $0x1  }
0x97: {  	s17 =	sld [smem:$0x3FFB];
	_ =	sdelay $0x3  }
0x98: {  	_ =	strace s17  }
0x99: {  	s4 =	sld [smem:$0x3FFC];
	_ =	sdelay $0x3  }
0x9a: {  	_ =	strace s4  }
0x9b: {  	s4 =	sld [smem:$0x3FFD];
	_ =	sdelay $0x3  }
0x9c: {  	_ =	strace s4  }
0x9d: {  	_ =	strace $0x8FFFFFFF  }
0x9e: {  	s18 =	sld [smem:$0x3FDB];
	_ =	sdelay $0x1  }
0x9f: {  	s19 =	simm.s32 $_scs_section_size  }
0xa0: {  	s6 =	simm.s32 $_size__tile_overlayer_lowered;
	s7 =	simm.s32 $_tile_overlayer_lowered  }
0xa1: {  	s22 =	simm.s32 $0x1BFF;
	s21 =	sshll.u32 s7, $0x1;
	s4 =	sadd.s32 s19, s18  }
0xa2: {  	s8 =	simm.s32 $0x0;
	s20 =	sshll.u32 s6, $0x1;
	s6 =	sadd.s32 s21, s4  }
0xa3: {  	[timem:s8], [sflag:s22] =	dma.local [hbm:s6], s20  }
0xa4: {  	_ =	swait.ge [sflag:s22], s20  }
0xa5: {  	s5 =	ssub.s32 $0x0, s20;
	[sflag:s22] =	ssyncset.done $0x0  }
0xa6: {  	[sflag:s22] =	ssyncadd.s32 s5;
	_ =	sdelay $0x1  }
0xa7: {  	s23 =	simm.s32 $0x1B8B  }
0xa8: {  	_ =	swait.ge [sflag:s23], $0x1  }
0xa9: {  	[sflag:s23] =	ssyncset.done $0x0  }
0xaa: {  	s25 =	simm.s32 $0x1B8E;
	s24 =	sld [smem:$0x3FFE];
	[sflag:s23] =	ssyncadd.s32 $0xFFFFFFFF  }
0xab: {  	s26 =	simm.s32 $execute0_lowered;
	[smem:$0x3FD2] =	sst s25  }
0xac: {  	s6 =	sshll.u32 s26, $0x1;
	_ =	strace $0x80000046;
	[dreg:$0x1] =	wrdreg $0xFFFFFFFF  }
0xad: {  	s28 =	simm.s32 $_size_execute0_lowered;
	s4 =	sadd.s32 s4, s6;
	[dreg:$0x0] =	wrdreg $0x0  }
0xae: {  	s6 =	sshll.u32 s28, $0x1;
	[dreg:$0x2] =	wrdreg s4  }
0xaf: {  	[dreg:$0x3] =	wrdreg s6  }
0xb0: {  	[dreg:$0x4] =	wrdreg $0xC0  }
0xb1: {  	_ =	task [dreg:s8], $0x5FFFF  }
0xb2: {  	[dreg:$0x1] =	wrdreg $0xFFFFFFFF  }
0xb3: {  	[dreg:$0x0] =	wrdreg $0x60  }
0xb4: {  	[dreg:$0x2] =	wrdreg s16  }
0xb5: {  	[dreg:$0x3] =	wrdreg s15  }
0xb6: {  	[dreg:$0x4] =	wrdreg s24  }
0xb7: {  	[dreg:$0x5] =	wrdreg $0x9  }
0xb8: {  	_ =	task.clear_ibuf [dreg:s8], $0x6FFFF;
	_ =	strace $0x90000046  }
0xb9: {  	s29 =	simm.s32 $0x9;
	_ =	strace $0x80000048  }
0xba: {  	_ =	swait.ge [sflag:s29], $0x1  }
0xbb: {  	[sflag:s29] =	ssyncadd.s32 $0xFFFFFFFF  }
0xbc: {  	_ =	strace $0x90000048  }
0xbd: {  	_ =	sfence  }
0xbe: {  	s30 =	sld [smem:$0x0];
	_ =	sdelay $0x2  }
0xbf: {  	s31 =	sshll.u32 s1, $0xD;
	s1 =	sshrl.u32 s1, $0x2  }
0xc0: {  	s3 =	sand.u32 $0x4000, s31;
	s1 =	sadd.s32 s1, s30  }
0xc1: {  	s0 =	sor.u32 s3, s0;
	s1 =	sshll.u32 s1, $0x11  }
0xc2: {  	s0 =	sor.u32 s1, s0  }
0xc3: {  	s0 =	sadd.s32 $0x8F2B, s0  }
0xc4: {  	[sflag:s0] =	ssyncadd.remote.s32 $0x1  }
0xc5: {  	_ =	sfence.sel $0xFFFF  }
0xc6: {  	[dreg:$0x0] =	wrdreg $0xFFFFFFFF;
	(pc) =	sbr.abs _section_cstart, $3  }
0xc7: {  	[dreg:$0x1] =	wrdreg $0xFFFFFFFF  }
0xc8: {  	_ =	task.clear_ibuf [dreg:s8], $0x2FFFF;
	_ =	strace $0x9FFFFFFF  }
0xc9: {  	(tm) =	ssettm $0x7FFFFFFF  }
tec
execute0_lowered:
.L_overlay_start_1:
0x0: {  	(tag) =	ssettag $0x1  }
0x1: {  	s2 =	srdreg.scid  }
0x2: {  	s1 =	rddreg [dreg:$0x0];
	s0 =	stileid.u32;
	s6 =	sand.u32 $0x1, s2  }
0x3: {  	s4 =	rddreg [dreg:$0x1];
	s11 =	sshll.u32 s0, $0xA;
	s3 =	sshll.u32 s6, $0x9  }
0x4: {  	s5 =	rddreg [dreg:$0x2];
	s7 =	sor.u32 s3, s11;
	s3 =	simm.s32 $0x0  }
0x5: {  	s12 =	simm.s32 $0x80;
	[smem:$0x7FF] =	sst s3  }
0x6: {  	s13 =	simm.s32 $0x900;
	_ =	strace $0x80000047;
	[dreg:$0x6] =	wrdreg s12  }
0x7: {  	s14 =	simm.s32 $0x1100;
	[dreg:$0x7] =	wrdreg s13  }
0x8: {  	s16 =	simm.s32 $0x1900;
	[dreg:$0x8] =	wrdreg s14  }
0x9: {  	s17 =	simm.s32 $0x2100;
	[dreg:$0x9] =	wrdreg s16  }
0xa: {  	s19 =	simm.s32 $0x2900;
	s21 =	simm.s32 $0x3100;
	[dreg:$0xa] =	wrdreg s17  }
0xb: {  	s22 =	simm.s32 $0x3900;
	s23 =	simm.s32 $0x4100;
	[dreg:$0xb] =	wrdreg s19  }
0xc: {  	s24 =	simm.s32 $0x4900;
	s25 =	simm.s32 $0x5100;
	[dreg:$0xc] =	wrdreg s21  }
0xd: {  	s26 =	simm.s32 $0x5900;
	s30 =	simm.s32 $0x6100;
	[dreg:$0xd] =	wrdreg s22  }
0xe: {  	s9 =	simm.s32 $0x6900;
	s31 =	simm.s32 $0x7100;
	[dreg:$0xe] =	wrdreg s23  }
0xf: {  	s10 =	simm.s32 $0x8100;
	s28 =	simm.s32 $0x2;
	[dreg:$0xf] =	wrdreg s24  }
0x10: {  	s29 =	simm.s32 $0x0;
	s15 =	sshll.u32 s0, $0x10;
	[dreg:$0x10] =	wrdreg s25  }
0x11: {  	s18 =	ssub.s32 $0x2, s6;
	s6 =	sshll.u32 s6, $0xF;
	[dreg:$0x11] =	wrdreg s26  }
0x12: {  	s20 =	sshrl.u32 s18, $0x1;
	s11 =	simm.s32 $0x8900;
	[dreg:$0x12] =	wrdreg s30  }
0x13: {  	s8 =	sor.u32 $0x40, s7;
	s7 =	sshrl.u32 s7, $0x3;
	[dreg:$0x13] =	wrdreg s9  }
0x14: {  	s8 =	sshrl.u32 s8, $0x3;
	[dreg:$0x14] =	wrdreg s31;
	s9 =	simm.s32 $0x7900  }
0x15: {  	s12 =	simm.s32 $0x9100;
	s13 =	simm.s32 $0x9900;
	s14 =	simm.s32 $0xA100  }
0x16: {  	s16 =	simm.s32 $0xB100;
	s17 =	simm.s32 $0xB900;
	s19 =	simm.s32 $0xC900  }
0x17: {  	s21 =	simm.s32 $0xD900;
	s22 =	simm.s32 $0xE100;
	s23 =	simm.s32 $0xE900  }
0x18: {  	s24 =	simm.s32 $0xF100;
	s25 =	simm.s32 $0xF900;
	s26 =	simm.s32 $0x1  }
0x19: {  	s8 =	sadd.s32 s8, s4;
	s4 =	sadd.s32 s7, s4;
	s7 =	sadd.s32 s15, s5  }
0x1a: {  	s5 =	ssub.s32 s18, s20;
	s15 =	simm.s32 $0xA900;
	[dreg:$0x4] =	wrdreg s8  }
0x1b: {  	v2 =	vlaneseq.u32;
	s18 =	simm.s32 $0xC100;
	s20 =	simm.s32 $0xD100;
	[dreg:$0x5] =	wrdreg s4  }
0x1c: {  	vm0 =	vmmov $0xffff;
	v1 =	vshrl.u32 v2, $0x3;
	s4 =	sadd.s32 $0x100, s1;
	s5 =	smax.u32 s5, $0x1;
	s6 =	sadd.s32 s6, s7  }
0x1d: {  	v0 =	vand.u32 $0x7, v2;
	v2 =	vor.u32 $0x8, v2;
	v1 =	vmul.u32 $0x8, v1;
	s7 =	simm.s32 $0x3;
	s8 =	simm.s32 $0x100;
	s6 =	sadd.s32 $0x1600, s6  }
.LBB2_1:
0x1e: {  	s30 =	smov.u32 s6;
	s31 =	simm.s32 $0x0  }
.LBB2_2:
0x1f: {  	s2 =	rddreg [dreg:$0x5]  }
0x20: {  	s2 =	sadd.s32 s31, s2  }
0x21: {  	[tilespmem:s3], [sflag:$0x3] =	stream.linear.gather [hbm4b:s2+s3], $0x40, $0x38;
	[tilespmem:$0x10100] =	vst v63  }
0x22: {  	_ =	swait.ge [sflag:s7], $0x40  }
0x23: {  	s2 =	rddreg [dreg:$0x4];
	[sflag:s7] =	ssyncset.done $0x0  }
0x24: {  	s0 =	rddreg [dreg:$0x6];
	[sflag:s7] =	ssyncadd.s32 $0xFFFFFFC0;
	s2 =	sadd.s32 s31, s2  }
0x25: {  	[tilespmem:s0], [sflag:$0x3] =	stream.linear.gather [hbm4b:s2+s3], $0x40, $0x38;
	[tilespmem:$0x10100] =	vst v63  }
0x26: {  	_ =	swait.ge [sflag:s7], $0x40  }
0x27: {  	[sflag:s7] =	ssyncset.done $0x0  }
0x28: {  	[sflag:s7] =	ssyncadd.s32 $0xFFFFFFC0  }
0x29: {  	v3 =	vld [tilespmem:$0x0];
	_ =	sdelay $0x4  }
0x2a: {  	v4 =	vshll.u32 v3, $0x2  }
0x2b: {  	v3 =	vand.u32 $0x7, v3;
	v4 =	vand.u32 $0xFFFFFFE0, v4  }
0x2c: {  	v3 =	vor.u32 v3, v4  }
0x2d: {  	v4 =	vperm.xlane v3, v0;
	_ =	sdelay $0x1  }
0x2e: {  	v4 =	vadd.s32 v1, v4;
	_ =	sdelay $0x1  }
0x2f: {  	v3 =	vperm.xlane v3, v2;
	_ =	sdelay $0x1  }
0x30: {  	v3 =	vadd.s32 v1, v3  }
0x31: {  	[tilespmem:s8], [sflag:$0x1] =	stream.indirect_vreg.gather [hbm4b:s1+s3], $0x80, v4, vm0, $0xb8;
	[tilespmem:$0x10100] =	vst v63  }
0x32: {  	s0 =	rddreg [dreg:$0x7]  }
0x33: {  	[tilespmem:s0], [sflag:$0x1] =	stream.indirect_vreg.gather [hbm4b:s4+s3], $0x80, v4, vm0, $0xb8;
	[tilespmem:$0x10100] =	vst v63  }
0x34: {  	s2 =	rddreg [dreg:$0x8]  }
0x35: {  	[tilespmem:s2], [sflag:$0x1] =	stream.indirect_vreg.gather [hbm4b:s1+s3], $0x80, v3, vm0, $0xb8;
	[tilespmem:$0x10100] =	vst v63  }
0x36: {  	s0 =	rddreg [dreg:$0x9]  }
0x37: {  	[tilespmem:s0], [sflag:$0x1] =	stream.indirect_vreg.gather [hbm4b:s4+s3], $0x80, v3, vm0, $0xb8;
	[tilespmem:$0x10100] =	vst v63  }
0x38: {  	v3 =	vld [tilespmem:$0x10];
	_ =	sdelay $0x4  }
0x39: {  	v57 =	vshll.u32 v3, $0x2  }
0x3a: {  	v3 =	vand.u32 $0x7, v3;
	v4 =	vand.u32 $0xFFFFFFE0, v57  }
0x3b: {  	v3 =	vor.u32 v3, v4  }
0x3c: {  	v4 =	vperm.xlane v3, v0;
	_ =	sdelay $0x1  }
0x3d: {  	v4 =	vadd.s32 v1, v4;
	_ =	sdelay $0x1  }
0x3e: {  	v3 =	vperm.xlane v3, v2;
	_ =	sdelay $0x1  }
0x3f: {  	s0 =	rddreg [dreg:$0xa];
	v3 =	vadd.s32 v1, v3  }
0x40: {  	[tilespmem:s0], [sflag:$0x1] =	stream.indirect_vreg.gather [hbm4b:s1+s3], $0x80, v4, vm0, $0xb8;
	[tilespmem:$0x10100] =	vst v63  }
0x41: {  	s2 =	rddreg [dreg:$0xb]  }
0x42: {  	[tilespmem:s2], [sflag:$0x1] =	stream.indirect_vreg.gather [hbm4b:s4+s3], $0x80, v4, vm0, $0xb8;
	[tilespmem:$0x10100] =	vst v63  }
0x43: {  	s0 =	rddreg [dreg:$0xc]  }
0x44: {  	[tilespmem:s0], [sflag:$0x1] =	stream.indirect_vreg.gather [hbm4b:s1+s3], $0x80, v3, vm0, $0xb8;
	[tilespmem:$0x10100] =	vst v63  }
0x45: {  	s2 =	rddreg [dreg:$0xd]  }
0x46: {  	[tilespmem:s2], [sflag:$0x1] =	stream.indirect_vreg.gather [hbm4b:s4+s3], $0x80, v3, vm0, $0xb8;
	[tilespmem:$0x10100] =	vst v63  }
0x47: {  	v3 =	vld [tilespmem:$0x20];
	_ =	sdelay $0x4  }
0x48: {  	v58 =	vshll.u32 v3, $0x2  }
0x49: {  	v3 =	vand.u32 $0x7, v3;
	v4 =	vand.u32 $0xFFFFFFE0, v58  }
0x4a: {  	v3 =	vor.u32 v3, v4  }
0x4b: {  	v4 =	vperm.xlane v3, v0;
	_ =	sdelay $0x1  }
0x4c: {  	v4 =	vadd.s32 v1, v4;
	_ =	sdelay $0x1  }
0x4d: {  	v3 =	vperm.xlane v3, v2;
	_ =	sdelay $0x1  }
0x4e: {  	s0 =	rddreg [dreg:$0xe];
	v3 =	vadd.s32 v1, v3  }
0x4f: {  	[tilespmem:s0], [sflag:$0x1] =	stream.indirect_vreg.gather [hbm4b:s1+s3], $0x80, v4, vm0, $0xb8;
	[tilespmem:$0x10100] =	vst v63  }
0x50: {  	s2 =	rddreg [dreg:$0xf]  }
0x51: {  	[tilespmem:s2], [sflag:$0x1] =	stream.indirect_vreg.gather [hbm4b:s4+s3], $0x80, v4, vm0, $0xb8;
	[tilespmem:$0x10100] =	vst v63  }
0x52: {  	s0 =	rddreg [dreg:$0x10]  }
0x53: {  	[tilespmem:s0], [sflag:$0x1] =	stream.indirect_vreg.gather [hbm4b:s1+s3], $0x80, v3, vm0, $0xb8;
	[tilespmem:$0x10100] =	vst v63  }
0x54: {  	s2 =	rddreg [dreg:$0x11]  }
0x55: {  	[tilespmem:s2], [sflag:$0x1] =	stream.indirect_vreg.gather [hbm4b:s4+s3], $0x80, v3, vm0, $0xb8;
	[tilespmem:$0x10100] =	vst v63  }
0x56: {  	v3 =	vld [tilespmem:$0x30];
	_ =	sdelay $0x4  }
0x57: {  	v59 =	vshll.u32 v3, $0x2  }
0x58: {  	v3 =	vand.u32 $0x7, v3;
	v4 =	vand.u32 $0xFFFFFFE0, v59  }
0x59: {  	v3 =	vor.u32 v3, v4  }
0x5a: {  	v4 =	vperm.xlane v3, v0;
	_ =	sdelay $0x1  }
0x5b: {  	v4 =	vadd.s32 v1, v4;
	_ =	sdelay $0x1  }
0x5c: {  	v3 =	vperm.xlane v3, v2;
	_ =	sdelay $0x1  }
0x5d: {  	s0 =	rddreg [dreg:$0x12];
	v3 =	vadd.s32 v1, v3  }
0x5e: {  	[tilespmem:s0], [sflag:$0x1] =	stream.indirect_vreg.gather [hbm4b:s1+s3], $0x80, v4, vm0, $0xb8;
	[tilespmem:$0x10100] =	vst v63  }
0x5f: {  	s2 =	rddreg [dreg:$0x13]  }
0x60: {  	[tilespmem:s2], [sflag:$0x1] =	stream.indirect_vreg.gather [hbm4b:s4+s3], $0x80, v4, vm0, $0xb8;
	[tilespmem:$0x10100] =	vst v63  }
0x61: {  	s0 =	rddreg [dreg:$0x14]  }
0x62: {  	[tilespmem:s0], [sflag:$0x1] =	stream.indirect_vreg.gather [hbm4b:s1+s3], $0x80, v3, vm0, $0xb8;
	[tilespmem:$0x10100] =	vst v63  }
0x63: {  	_ = 	snop  }
0x64: {  	[tilespmem:s9], [sflag:$0x1] =	stream.indirect_vreg.gather [hbm4b:s4+s3], $0x80, v3, vm0, $0xb8;
	[tilespmem:$0x10100] =	vst v63  }
0x65: {  	v3 =	vld [tilespmem:$0x80];
	_ =	sdelay $0x4  }
0x66: {  	v60 =	vshll.u32 v3, $0x2  }
0x67: {  	v3 =	vand.u32 $0x7, v3;
	v4 =	vand.u32 $0xFFFFFFE0, v60  }
0x68: {  	v3 =	vor.u32 v3, v4  }
0x69: {  	v4 =	vperm.xlane v3, v0;
	_ =	sdelay $0x1  }
0x6a: {  	v4 =	vadd.s32 v1, v4;
	_ =	sdelay $0x1  }
0x6b: {  	v3 =	vperm.xlane v3, v2;
	_ =	sdelay $0x1  }
0x6c: {  	v3 =	vadd.s32 v1, v3  }
0x6d: {  	[tilespmem:s10], [sflag:$0x2] =	stream.indirect_vreg.gather [hbm4b:s1+s3], $0x80, v4, vm0, $0xb8;
	[tilespmem:$0x10100] =	vst v63  }
0x6e: {  	_ = 	snop  }
0x6f: {  	[tilespmem:s11], [sflag:$0x2] =	stream.indirect_vreg.gather [hbm4b:s4+s3], $0x80, v4, vm0, $0xb8;
	[tilespmem:$0x10100] =	vst v63  }
0x70: {  	_ = 	snop  }
0x71: {  	[tilespmem:s12], [sflag:$0x2] =	stream.indirect_vreg.gather [hbm4b:s1+s3], $0x80, v3, vm0, $0xb8;
	[tilespmem:$0x10100] =	vst v63  }
0x72: {  	_ = 	snop  }
0x73: {  	[tilespmem:s13], [sflag:$0x2] =	stream.indirect_vreg.gather [hbm4b:s4+s3], $0x80, v3, vm0, $0xb8;
	[tilespmem:$0x10100] =	vst v63  }
0x74: {  	v3 =	vld [tilespmem:$0x90];
	_ =	sdelay $0x4  }
0x75: {  	v61 =	vshll.u32 v3, $0x2  }
0x76: {  	v3 =	vand.u32 $0x7, v3;
	v4 =	vand.u32 $0xFFFFFFE0, v61  }
0x77: {  	v3 =	vor.u32 v3, v4  }
0x78: {  	v4 =	vperm.xlane v3, v0;
	_ =	sdelay $0x1  }
0x79: {  	v4 =	vadd.s32 v1, v4;
	_ =	sdelay $0x1  }
0x7a: {  	v3 =	vperm.xlane v3, v2;
	_ =	sdelay $0x1  }
0x7b: {  	v3 =	vadd.s32 v1, v3  }
0x7c: {  	[tilespmem:s14], [sflag:$0x2] =	stream.indirect_vreg.gather [hbm4b:s1+s3], $0x80, v4, vm0, $0xb8;
	[tilespmem:$0x10100] =	vst v63  }
0x7d: {  	_ = 	snop  }
0x7e: {  	[tilespmem:s15], [sflag:$0x2] =	stream.indirect_vreg.gather [hbm4b:s4+s3], $0x80, v4, vm0, $0xb8;
	[tilespmem:$0x10100] =	vst v63  }
0x7f: {  	_ = 	snop  }
0x80: {  	[tilespmem:s16], [sflag:$0x2] =	stream.indirect_vreg.gather [hbm4b:s1+s3], $0x80, v3, vm0, $0xb8;
	[tilespmem:$0x10100] =	vst v63  }
0x81: {  	_ = 	snop  }
0x82: {  	[tilespmem:s17], [sflag:$0x2] =	stream.indirect_vreg.gather [hbm4b:s4+s3], $0x80, v3, vm0, $0xb8;
	[tilespmem:$0x10100] =	vst v63  }
0x83: {  	v3 =	vld [tilespmem:$0xA0];
	_ =	sdelay $0x4  }
0x84: {  	v62 =	vshll.u32 v3, $0x2  }
0x85: {  	v3 =	vand.u32 $0x7, v3;
	v4 =	vand.u32 $0xFFFFFFE0, v62  }
0x86: {  	v3 =	vor.u32 v3, v4  }
0x87: {  	v4 =	vperm.xlane v3, v0;
	_ =	sdelay $0x1  }
0x88: {  	v4 =	vadd.s32 v1, v4;
	_ =	sdelay $0x1  }
0x89: {  	v3 =	vperm.xlane v3, v2;
	_ =	sdelay $0x1  }
0x8a: {  	v3 =	vadd.s32 v1, v3  }
0x8b: {  	[tilespmem:s18], [sflag:$0x2] =	stream.indirect_vreg.gather [hbm4b:s1+s3], $0x80, v4, vm0, $0xb8;
	[tilespmem:$0x10100] =	vst v63  }
0x8c: {  	_ = 	snop  }
0x8d: {  	[tilespmem:s19], [sflag:$0x2] =	stream.indirect_vreg.gather [hbm4b:s4+s3], $0x80, v4, vm0, $0xb8;
	[tilespmem:$0x10100] =	vst v63  }
0x8e: {  	_ = 	snop  }
0x8f: {  	[tilespmem:s20], [sflag:$0x2] =	stream.indirect_vreg.gather [hbm4b:s1+s3], $0x80, v3, vm0, $0xb8;
	[tilespmem:$0x10100] =	vst v63  }
0x90: {  	_ = 	snop  }
0x91: {  	[tilespmem:s21], [sflag:$0x2] =	stream.indirect_vreg.gather [hbm4b:s4+s3], $0x80, v3, vm0, $0xb8;
	[tilespmem:$0x10100] =	vst v63  }
0x92: {  	v3 =	vld [tilespmem:$0xB0];
	_ =	sdelay $0x4  }
0x93: {  	v63 =	vshll.u32 v3, $0x2  }
0x94: {  	v3 =	vand.u32 $0x7, v3;
	v4 =	vand.u32 $0xFFFFFFE0, v63  }
0x95: {  	v3 =	vor.u32 v3, v4  }
0x96: {  	v4 =	vperm.xlane v3, v0;
	_ =	sdelay $0x1  }
0x97: {  	v4 =	vadd.s32 v1, v4;
	_ =	sdelay $0x1  }
0x98: {  	v3 =	vperm.xlane v3, v2;
	_ =	sdelay $0x1  }
0x99: {  	v3 =	vadd.s32 v1, v3  }
0x9a: {  	[tilespmem:s22], [sflag:$0x2] =	stream.indirect_vreg.gather [hbm4b:s1+s3], $0x80, v4, vm0, $0xb8;
	[tilespmem:$0x10100] =	vst v63  }
0x9b: {  	_ = 	snop  }
0x9c: {  	[tilespmem:s23], [sflag:$0x2] =	stream.indirect_vreg.gather [hbm4b:s4+s3], $0x80, v4, vm0, $0xb8;
	[tilespmem:$0x10100] =	vst v63  }
0x9d: {  	_ = 	snop  }
0x9e: {  	[tilespmem:s24], [sflag:$0x2] =	stream.indirect_vreg.gather [hbm4b:s1+s3], $0x80, v3, vm0, $0xb8;
	[tilespmem:$0x10100] =	vst v63  }
0x9f: {  	_ = 	snop  }
0xa0: {  	[tilespmem:s25], [sflag:$0x2] =	stream.indirect_vreg.gather [hbm4b:s4+s3], $0x80, v3, vm0, $0xb8;
	[tilespmem:$0x10100] =	vst v63  }
0xa1: {  	_ =	swait.ge [sflag:s26], $0x8000  }
0xa2: {  	[sflag:s26] =	ssyncset.done $0x0  }
0xa3: {  	[sflag:s26] =	ssyncadd.s32 $0xFFFF8000  }
0xa4: {  	[hbm4b:s30+s3] =	stream.linear.scatter [tilespmem:s8], [sflag:$0x1], $0x8000, $0x38;
	[tilespmem:$0x10100] =	vst v63  }
0xa5: {  	_ =	swait.ge [sflag:s28], $0x8000  }
0xa6: {  	[sflag:s28] =	ssyncset.done $0x0  }
0xa7: {  	s2 =	sadd.s32 $0x1000, s30;
	[sflag:s28] =	ssyncadd.s32 $0xFFFF8000  }
0xa8: {  	[hbm4b:s2+s3] =	stream.linear.scatter [tilespmem:s10], [sflag:$0x2], $0x8000, $0x38;
	[tilespmem:$0x10100] =	vst v63  }
0xa9: {  	p0 =	sne.s32 s31, $0x30;
	_ =	swait.ge [sflag:s26], $0x8000  }
.Ltmp0:
0xaa: {  	[sflag:s26] =	ssyncset.done $0x0;
	(pc) =	sbr.rel @p0 .LBB2_2-.Ltmp0, $4  }
0xab: {  	[sflag:s26] =	ssyncadd.s32 $0xFFFF8000  }
0xac: {  	_ =	swait.ge [sflag:s28], $0x8000  }
0xad: {  	[sflag:s28] =	ssyncset.done $0x0  }
0xae: {  	s31 =	sadd.s32 $0x10, s31;
	s30 =	sadd.s32 $0x2000, s30;
	[sflag:s28] =	ssyncadd.s32 $0xFFFF8000  }
0xaf: {  	s29 =	sadd.s32 $0x1, s29  }
0xb0: {  	p0 =	sne.s32 s29, s5  }
.Ltmp1:
0xb1: {  	_ = 	snop;
	(pc) =	sbr.rel @p0 .LBB2_1-.Ltmp1, $1  }
0xb2: {  	_ =	sdelay $0x3  }
0xb3: {  	_ =	sfence.sel $0x180000  }
0xb4: {  	[bflag:$0x0] =	sbarrier.arrive $0xFFFF  }
0xb5: {  	_ =	strace $0x90000047  }
0xb6: {  	s0 =	stileid.u32;
	[bflag:$0x2] =	sbarrier.arrive $0xFFFF  }
0xb7: {  	p0 =	sne.s32 s0, $0x0;
	s0 =	rddreg [dreg:$0x3]  }
0xb8: {  	s0 =	sadd.s32 @!p0 $0x100000, s0  }
0xb9: {  	[sflag:s0] =	ssyncadd.tile.s32 @!p0 $0x1;
	_ =	shalt  }
.Lfunc_end2:
_tile_overlayer_lowered:
.L_overlay_start_2:
0xba: {  	(tag) =	ssettag $0x2  }
0xbb: {  	s0 =	rddreg [dreg:$0x0];
	s2 =	stileid.u32  }
0xbc: {  	s1 =	rddreg [dreg:$0x1];
	p0 =	sne.s32 s2, $0x0  }
0xbd: {  	s3 =	rddreg [dreg:$0x2];
	[bflag:$0x3] =	sbarrier.arrive $0xFFFF;
	s2 =	simm.s32 @!p0 $0x1C03  }
0xbe: {  	[timem:s3], [sflag:s2] =	dma.local @!p0 [hbm:s0], s1  }
0xbf: {  	s0 =	simm.s32 @!p0 $0x3  }
0xc0: {  	_ =	swait.ge @!p0 [sflag:s0], s1  }
0xc1: {  	s1 =	ssub.s32 @!p0 $0x0, s1;
	[sflag:s0] =	ssyncset.done @!p0 $0x0  }
0xc2: {  	[sflag:s0] =	ssyncadd.s32 @!p0 s1  }
0xc3: {  	[bflag:$0x3] =	sbarrier.arrive $0xFFFF  }
0xc4: {  	_ =	shalt  }

// kernel: kernel.8.cloned.1.call-start
scs
__scs_entry_jumppad:
0x0: {  	(pc) =	sbr.rel $0x88, $3  }
0x1: {  	(tag) =	ssettag $0x0;
	lr =	simm.s32 $0x1  }
0x2: {  	[smem:$0x3F98] =	sst lr;
	_ =	strace $0xD0000000  }
0x3: {  	_ = 	snop  }
0x4: {  	_ = 	snop  }
0x5: {  	_ = 	snop  }
0x6: {  	_ = 	snop  }
0x7: {  	_ = 	snop  }
__scs_overlays_trampoline_lowered:
0x8: {  	[smem:$0x3FA7] =	sst s0  }
0x9: {  	[smem:$0x3FA8] =	sst s1  }
0xa: {  	[smem:$0x3FA9] =	sst s2  }
0xb: {  	[smem:$0x3FAA] =	sst s3  }
0xc: {  	[smem:$0x3FAB] =	sst s4  }
0xd: {  	[smem:$0x3FAC] =	sst s5  }
0xe: {  	[smem:$0x3FAD] =	sst s6  }
0xf: {  	[smem:$0x3FAE] =	sst s7  }
0x10: {  	[smem:$0x3FAF] =	sst s8  }
0x11: {  	[smem:$0x3FB0] =	sst s9;
	s0 =	simm.s32 @!p0 $0x0  }
0x12: {  	s1 =	sld [smem:$0x3F96];
	s0 =	simm.s32 @p0 $0x1  }
0x13: {  	[smem:$0x3FB1] =	sst s0;
	s0 =	simm.s32 @!p1 $0x0  }
0x14: {  	s2 =	sld [smem:$0x3F95];
	s0 =	simm.s32 @p1 $0x1  }
0x15: {  	[smem:$0x3FB2] =	sst s0;
	s0 =	simm.s32 @!p2 $0x0  }
0x16: {  	s3 =	sld [smem:$0x3FDB];
	s0 =	simm.s32 @p2 $0x1  }
0x17: {  	s4 =	simm.s32 $0x1BF5;
	[smem:$0x3FB4] =	sst s0  }
0x18: {  	s0 =	sld [smem:$0x3F97];
	_ =	swait.ge [sflag:s4], $0x0  }
0x19: {  	s7 =	sld [smem:$0x3F98]  }
0x1a: {  	s8 =	sadd.s32 $0xFFFFE003, lr  }
0x1b: {  	s9 =	sadd.s32 $0xFFFFFEF7, lr;
	s5 =	simm.s32 $0xFFFFFFFF;
	p2 =	slt.u32 s8, $0xFFFFF086  }
0x1c: {  	p1 =	slt.u32 s9, $0xF7A;
	s5 =	simm.s32 @!p2 $0x0  }
0x1d: {  	s5 =	simm.s32 @p1 $0x1;
	p0 =	seq.s32 s7, s2  }
0x1e: {  	s7 =	smul.u32 @!p0 $0xF7A, s2;
	p2 =	seq.s32 @!p0 s5, $0x0  }
0x1f: {  	s9 =	smul.u32 $0xF7A, s1;
	s8 =	simm.s32 @!p0 $0x1BF5;
	p2 =	por !p2, p0  }
0x20: {  	[sflag:s8] =	ssyncset.s32 @!p0 $0xFFFFF086;
	s6 =	sadd.s32 @!p0 s3, s7;
	s7 =	simm.s32 @!p0 $0x108  }
0x21: {  	s3 =	sadd.s32 s3, s9;
	s6 =	sadd.s32 @!p0 $0x88, s6;
	s7 =	simm.s32 @p2 $0x1082  }
0x22: {  	[simem:s7], [sflag:s8] =	dma.local @!p0 [hbm:s6], $0xF7A  }
0x23: {  	s9 =	sor.u32 $0xD0000000, s2;
	s6 =	simm.s32 $0x108;
	_ =	swait.ge @!p0 [sflag:s8], $0x0  }
0x24: {  	s3 =	sadd.s32 $0x88, s3;
	s6 =	simm.s32 @!p1 $0x1082;
	[sflag:s4] =	ssyncset.s32 $0xFFFFF086  }
0x25: {  	[simem:s6], [sflag:s4] =	dma.local [hbm:s3], $0xF7A  }
0x26: {  	[smem:$0x3F98] =	sst s1;
	(tag) =	ssettag s2;
	_ =	strace s9  }
0x27: {  	s1 =	sld [smem:$0x3FA8]  }
0x28: {  	s2 =	sld [smem:$0x3FA9]  }
0x29: {  	s4 =	sld [smem:$0x3FAB]  }
0x2a: {  	p0 =	seq.s32 s5, $0x0;
	s5 =	sld [smem:$0x3FAC]  }
0x2b: {  	s6 =	sld [smem:$0x3FAD]  }
0x2c: {  	s7 =	sld [smem:$0x3FAE]  }
0x2d: {  	s3 =	simm.s32 $0x108;
	s8 =	sld [smem:$0x3FAF]  }
0x2e: {  	s3 =	simm.s32 @!p0 $0x1082;
	s9 =	sld [smem:$0x3FB0]  }
0x2f: {  	lr =	sadd.s32 s0, s3;
	s0 =	sld [smem:$0x3FA7]  }
0x30: {  	s3 =	sld [smem:$0x3FAA]  }
0x31: {  	[smem:$0x3FB3] =	sst s10  }
0x32: {  	s10 =	sld [smem:$0x3FB1];
	_ =	sdelay $0x3  }
0x33: {  	p0 =	seq.s32 s10, $0x1;
	s10 =	sld [smem:$0x3FB3];
	_ =	sdelay $0x3  }
0x34: {  	[smem:$0x3FB3] =	sst s10  }
0x35: {  	s10 =	sld [smem:$0x3FB2];
	_ =	sdelay $0x3  }
0x36: {  	p1 =	seq.s32 s10, $0x1;
	s10 =	sld [smem:$0x3FB3];
	_ =	sdelay $0x3  }
0x37: {  	[smem:$0x3FB3] =	sst s10  }
0x38: {  	s10 =	sld [smem:$0x3FB4]  }
0x39: {  	_ = 	snop;
	(pc) =	sbr.ind lr, $3  }
0x3a: {  	_ = 	snop  }
0x3b: {  	_ = 	snop  }
0x3c: {  	p2 =	seq.s32 s10, $0x1;
	s10 =	sld [smem:$0x3FB3]  }
0x3d: {  	_ =	shalt  }
0x3e: {  	_ =	shalt  }
0x3f: {  	_ =	shalt  }
0x40: {  	_ =	shalt  }
0x41: {  	_ =	shalt  }
0x42: {  	_ =	shalt  }
0x43: {  	_ =	shalt  }
0x44: {  	_ =	shalt  }
0x45: {  	_ =	shalt  }
0x46: {  	_ =	shalt  }
0x47: {  	_ =	shalt  }
0x48: {  	_ =	shalt  }
0x49: {  	_ =	shalt  }
0x4a: {  	_ =	shalt  }
0x4b: {  	_ =	shalt  }
0x4c: {  	_ =	shalt  }
0x4d: {  	_ =	shalt  }
0x4e: {  	_ =	shalt  }
0x4f: {  	_ =	shalt  }
0x50: {  	_ =	shalt  }
0x51: {  	_ =	shalt  }
0x52: {  	_ =	shalt  }
0x53: {  	_ =	shalt  }
0x54: {  	_ =	shalt  }
0x55: {  	_ =	shalt  }
0x56: {  	_ =	shalt  }
0x57: {  	_ =	shalt  }
0x58: {  	_ =	shalt  }
0x59: {  	_ =	shalt  }
0x5a: {  	_ =	shalt  }
0x5b: {  	_ =	shalt  }
0x5c: {  	_ =	shalt  }
0x5d: {  	_ =	shalt  }
0x5e: {  	_ =	shalt  }
0x5f: {  	_ =	shalt  }
0x60: {  	_ =	shalt  }
0x61: {  	_ =	shalt  }
0x62: {  	_ =	shalt  }
0x63: {  	_ =	shalt  }
0x64: {  	_ =	shalt  }
0x65: {  	_ =	shalt  }
0x66: {  	_ =	shalt  }
0x67: {  	_ =	shalt  }
0x68: {  	_ =	shalt  }
0x69: {  	_ =	shalt  }
0x6a: {  	_ =	shalt  }
0x6b: {  	_ =	shalt  }
0x6c: {  	_ =	shalt  }
0x6d: {  	_ =	shalt  }
0x6e: {  	_ =	shalt  }
0x6f: {  	_ =	shalt  }
0x70: {  	_ =	shalt  }
0x71: {  	_ =	shalt  }
0x72: {  	_ =	shalt  }
0x73: {  	_ =	shalt  }
0x74: {  	_ =	shalt  }
0x75: {  	_ =	shalt  }
0x76: {  	_ =	shalt  }
0x77: {  	_ =	shalt  }
0x78: {  	_ =	shalt  }
0x79: {  	_ =	shalt  }
0x7a: {  	_ =	shalt  }
0x7b: {  	_ =	shalt  }
0x7c: {  	_ =	shalt  }
0x7d: {  	_ =	shalt  }
0x7e: {  	_ =	shalt  }
0x7f: {  	_ =	shalt  }
0x80: {  	_ =	shalt  }
0x81: {  	_ =	shalt  }
0x82: {  	_ =	shalt  }
0x83: {  	_ =	shalt  }
0x84: {  	_ =	shalt  }
0x85: {  	_ =	shalt  }
0x86: {  	_ =	shalt  }
0x87: {  	_ =	shalt  }
.Lfunc_end0:
.L_simem_size_0:
called_computation.1_lowered:
.L_overlay_start_0:
0x88: {  	s2 =	sld [smem:$0x3FD9]  }
0x89: {  	s3 =	sld [smem:$0x3FFE];
	_ =	sdelay $0x1  }
0x8a: {  	s1 =	srdreg.scid  }
0x8b: {  	s0 =	sand.u32 $0x1, s1  }
0x8c: {  	s14 =	sshll.u32 s0, $0xA;
	s2 =	sadd.s32 s3, s2  }
0x8d: {  	s2 =	sadd.s32 s2, s14  }
0x8e: {  	[smem:$0x3FBF] =	sst s2  }
0x8f: {  	_ = 	snop  }
0x90: {  	s2 =	sld [smem:$0x3FD0];
	_ =	sdelay $0x1  }
0x91: {  	s15 =	sld [smem:$0x3FC9]  }
0x92: {  	s5 =	simm.s32 $0xA;
	s6 =	simm.s32 $0x10;
	s4 =	sld [smem:$0x3FC7]  }
0x93: {  	[smem:s6], [sflag:s5] =	dma.local [hbm:s2], $0x1  }
0x94: {  	_ =	swait.eq [sflag:s5], $0x1  }
0x95: {  	[sflag:s5] =	ssyncset.done $0x0  }
0x96: {  	s16 =	sld [smem:$0x10];
	[sflag:s5] =	ssyncadd.s32 $0xFFFFFFFF  }
0x97: {  	s17 =	sld [smem:$0x12];
	(tm) =	ssettm $0x1  }
0x98: {  	s18 =	sld [smem:$0x3FFB];
	_ =	sdelay $0x3  }
0x99: {  	_ =	strace s18  }
0x9a: {  	s6 =	sld [smem:$0x3FFC];
	_ =	sdelay $0x3  }
0x9b: {  	_ =	strace s6  }
0x9c: {  	s6 =	sld [smem:$0x3FFD];
	_ =	sdelay $0x3  }
0x9d: {  	_ =	strace s6  }
0x9e: {  	_ =	strace $0x8FFFFFFF  }
0x9f: {  	s19 =	sld [smem:$0x3FDB];
	_ =	sdelay $0x1  }
0xa0: {  	s7 =	simm.s32 $_scs_section_size  }
0xa1: {  	s8 =	simm.s32 $_size__tile_overlayer_lowered;
	s9 =	simm.s32 $_tile_overlayer_lowered  }
0xa2: {  	s22 =	simm.s32 $0x1BFF;
	s21 =	sshll.u32 s9, $0x1;
	s6 =	sadd.s32 s7, s19  }
0xa3: {  	s10 =	simm.s32 $0x0;
	s20 =	sshll.u32 s8, $0x1;
	s8 =	sadd.s32 s21, s6  }
0xa4: {  	[timem:s10], [sflag:s22] =	dma.local [hbm:s8], s20  }
0xa5: {  	_ =	swait.ge [sflag:s22], s20  }
0xa6: {  	s7 =	ssub.s32 $0x0, s20;
	[sflag:s22] =	ssyncset.done $0x0  }
0xa7: {  	[sflag:s22] =	ssyncadd.s32 s7;
	_ =	sdelay $0x1  }
0xa8: {  	s23 =	simm.s32 $0x1B8B  }
0xa9: {  	_ =	swait.ge [sflag:s23], $0x1  }
0xaa: {  	[sflag:s23] =	ssyncset.done $0x0  }
0xab: {  	s25 =	simm.s32 $0x1B8E;
	s24 =	sld [smem:$0x3FFE];
	[sflag:s23] =	ssyncadd.s32 $0xFFFFFFFF  }
0xac: {  	s26 =	simm.s32 $execute0_lowered;
	[smem:$0x3FD2] =	sst s25  }
0xad: {  	s8 =	sshll.u32 s26, $0x1;
	_ =	strace $0x80000049;
	[dreg:$0x1] =	wrdreg $0xFFFFFFFF  }
0xae: {  	s28 =	simm.s32 $_size_execute0_lowered;
	s6 =	sadd.s32 s6, s8;
	[dreg:$0x0] =	wrdreg $0x0  }
0xaf: {  	s8 =	sshll.u32 s28, $0x1;
	[dreg:$0x2] =	wrdreg s6  }
0xb0: {  	[dreg:$0x3] =	wrdreg s8  }
0xb1: {  	[dreg:$0x4] =	wrdreg $0xC0  }
0xb2: {  	_ =	task [dreg:s10], $0x5FFFF  }
0xb3: {  	[dreg:$0x1] =	wrdreg $0xFFFFFFFF  }
0xb4: {  	[dreg:$0x0] =	wrdreg $0x60  }
0xb5: {  	[dreg:$0x2] =	wrdreg s15  }
0xb6: {  	[dreg:$0x3] =	wrdreg s17  }
0xb7: {  	[dreg:$0x4] =	wrdreg s4  }
0xb8: {  	[dreg:$0x5] =	wrdreg s16  }
0xb9: {  	[dreg:$0x6] =	wrdreg s24  }
0xba: {  	[dreg:$0x7] =	wrdreg $0x9  }
0xbb: {  	_ =	task.clear_ibuf [dreg:s10], $0x8FFFF;
	_ =	strace $0x90000049  }
0xbc: {  	s29 =	simm.s32 $0x9;
	_ =	strace $0x8000004B  }
0xbd: {  	_ =	swait.ge [sflag:s29], $0x1  }
0xbe: {  	[sflag:s29] =	ssyncadd.s32 $0xFFFFFFFF  }
0xbf: {  	_ =	strace $0x9000004B  }
0xc0: {  	_ =	sfence  }
0xc1: {  	s30 =	sld [smem:$0x0];
	_ =	sdelay $0x2  }
0xc2: {  	s31 =	sshll.u32 s1, $0xD;
	s1 =	sshrl.u32 s1, $0x2  }
0xc3: {  	s3 =	sand.u32 $0x4000, s31;
	s1 =	sadd.s32 s1, s30  }
0xc4: {  	s0 =	sor.u32 s3, s0;
	s1 =	sshll.u32 s1, $0x11  }
0xc5: {  	s0 =	sor.u32 s1, s0  }
0xc6: {  	s0 =	sadd.s32 $0x8F2B, s0  }
0xc7: {  	[sflag:s0] =	ssyncadd.remote.s32 $0x1  }
0xc8: {  	_ =	sfence.sel $0xFFFF  }
0xc9: {  	[dreg:$0x0] =	wrdreg $0xFFFFFFFF;
	(pc) =	sbr.abs _section_cstart, $3  }
0xca: {  	[dreg:$0x1] =	wrdreg $0xFFFFFFFF  }
0xcb: {  	_ =	task.clear_ibuf [dreg:s10], $0x2FFFF;
	_ =	strace $0x9FFFFFFF  }
0xcc: {  	(tm) =	ssettm $0x7FFFFFFF  }
0xcd: {  	_ =	shalt  }
tec
execute0_lowered:
.L_overlay_start_1:
0x0: {  	(tag) =	ssettag $0x1  }
0x1: {  	s2 =	rddreg [dreg:$0x1]  }
0x2: {  	s0 =	srdreg.scid;
	s5 =	rddreg [dreg:$0x3]  }
0x3: {  	s9 =	stileid.u32;
	s3 =	rddreg [dreg:$0x4]  }
0x4: {  	s6 =	simm.s32 $0x0;
	s13 =	simm.s32 $0x18480;
	s15 =	simm.s32 $0x4000  }
0x5: {  	s16 =	simm.s32 $0x4C80;
	s17 =	simm.s32 $0x6880;
	s31 =	simm.s32 $0x2  }
0x6: {  	s30 =	simm.s32 $0x8480;
	s0 =	sand.u32 $0x1, s0;
	s1 =	sshll.u32 s9, $0x1  }
0x7: {  	v0 =	vimm.s32 $0xFFEDCBA9;
	v1 =	vimm.s32 $0x87654321;
	[smem:$0x7FF] =	sst s6;
	s28 =	smul.u32 $0x1900, s9;
	s9 =	sadd.s32 $0x100, s5  }
0x8: {  	v0 =	vunpack.c.l.s4.s8 v0;
	v1 =	vunpack.c.l.s4.s8 v1;
	s1 =	sor.u32 s0, s1;
	s4 =	ssub.s32 $0x2, s0;
	s0 =	smul.u32 $0xC80, s0  }
0x9: {  	v3 =	vlaneseq.u32;
	_ =	strace $0x8000004A;
	s1 =	smul.u32 $0xC80, s1;
	s8 =	sshrl.u32 s4, $0x1  }
.Ltmp0:
0xa: {  	vm0 =	vcmask $0x3F3C;
	v2 =	vunpack.c.0.s8.s32 v0;
	v1 =	vunpack.c.0.s8.s32 v1;
	s4 =	ssub.s32 s4, s8;
	s8 =	sadd.s32 $0x100, s2;
	(pc) =	sbr.rel .LBB2_1-.Ltmp0, $4  }
0xb: {  	v6 =	vimm.s32 $0x0;
	vm1 =	vmmov $0xffff;
	v4 =	vor.u32 $0x80000000, v3;
	s0 =	sadd.s32 s0, s28;
	s7 =	sshrl.u32 s1, $0x3;
	s29 =	sadd.s32 $0xC80, s1  }
0xc: {  	v7 =	vand.u32 $0x7, v3;
	v8 =	vshrl.u32 v3, $0x3;
	s4 =	smax.u32 s4, $0x1;
	[dreg:$0x8] =	wrdreg s0;
	v5 =	vcombine.low v1, v2;
	s3 =	sadd.s32 s7, s3  }
0xd: {  	v9 =	vor.u32 $0x8, v3;
	v8 =	vmul.u32 $0x8, v8;
	v0 =	vmov s1;
	s1 =	simm.s32 $0x0;
	[dreg:$0x7] =	wrdreg s4;
	s10 =	sadd.s32 $0x101600, s3  }
0xe: {  	v2 =	vimm.s32 $0xFFFFFFFF;
	s4 =	simm.s32 $0x3;
	s7 =	simm.s32 $0x1C480;
	v1 =	vmov s29;
	v5 =	vand.u32 $0xF, v5;
	[dreg:$0x6] =	wrdreg s10  }
.LBB2_12:
0xf: {  	s1 =	rddreg [dreg:$0x9]  }
0x10: {  	s0 =	rddreg [dreg:$0x7];
	s1 =	sadd.s32 $0x1, s1  }
0x11: {  	p0 =	sne.s32 s1, s0  }
.Ltmp1:
0x12: {  	_ = 	snop;
	(pc) =	sbr.rel @!p0 .LBB2_13-.Ltmp1, $2  }
0x13: {  	_ =	sdelay $0x2  }
0x14: {  	s10 =	rddreg [dreg:$0x6];
	s4 =	simm.s32 $0x3;
	s7 =	simm.s32 $0x1C480  }
.LBB2_1:
0x15: {  	[dreg:$0x9] =	wrdreg s1  }
0x16: {  	s0 =	rddreg [dreg:$0x0]  }
0x17: {  	[tilespmem:s6], [sflag:$0x3] =	stream.linear.gather [hbm4b:s0+s6], $0x4000, $0x38;
	[tilespmem:$0x1D100] =	vst v63  }
0x18: {  	_ =	swait.ge [sflag:s4], $0x4000  }
0x19: {  	[sflag:s4] =	ssyncset.done $0x0  }
0x1a: {  	[sflag:s4] =	ssyncadd.s32 $0xFFFFC000  }
0x1b: {  	s29 =	rddreg [dreg:$0x2]  }
0x1c: {  	[tilespmem:s13], [sflag:$0x3] =	stream.linear.gather [hbm4b:s29+s6], $0x4000, $0x38;
	[tilespmem:$0x1D100] =	vst v63  }
0x1d: {  	_ =	swait.ge [sflag:s4], $0x4000  }
0x1e: {  	[sflag:s4] =	ssyncset.done $0x0  }
0x1f: {  	[sflag:s4] =	ssyncadd.s32 $0xFFFFC000  }
0x20: {  	[tilespmem:s7], [sflag:$0x3] =	stream.linear.gather [hbm4b:s10+s6], $0xC80, $0x38;
	[tilespmem:$0x1D100] =	vst v63  }
0x21: {  	_ =	swait.ge [sflag:s4], $0xC80  }
0x22: {  	[sflag:s4] =	ssyncset.done $0x0  }
0x23: {  	s0 =	simm.s32 $0x0;
	[sflag:s4] =	ssyncadd.s32 $0xFFFFF380  }
.LBB2_2:
0x24: {  	p0 =	sne.s32 s0, $0x31C0  }
.Ltmp2:
0x25: {  	_ = 	snop;
	(pc) =	sbr.rel @p0 .LBB2_2-.Ltmp2, $3  }
0x26: {  	_ =	sdelay $0x1  }
0x27: {  	s1 =	sshra.s32 s0, $0x2  }
0x28: {  	s0 =	sadd.s32 $0x40, s0;
	[tilespmem:s1+$0x4000] =	vst v2  }
0x29: {  	s1 =	simm.s32 $0x0;
	s0 =	simm.s32 $0x20;
	s3 =	simm.s32 $0x0  }
.LBB2_4:
0x2a: {  	v10 =	vld [tilespmem:s0+$0xFFFFFFE0];
	_ =	sdelay $0x4  }
0x2b: {  	v10 =	vshll.u32 v10, $0x4  }
0x2c: {  	v11 =	vor.u32 s3, v3;
	v10 =	vxor.u32 v4, v10  }
0x2d: {  	(xrf1) =	vsort.ascd.msk.u32 $0xffff, v10, v11;
	_ =	sdelay $0xd  }
0x2e: {  	v10, v11, _ =	vpop (xrf1)  }
0x2f: {  	v10 =	vxor.u32 $0x80000000, v10  }
0x30: {  	v12 =	vperm.xlane v10, v5;
	_ =	sdelay $0x1  }
0x31: {  	v10 =	vshrl.u32 v10, $0x4;
	v12 =	vshrl.u32 v12, $0x4  }
0x32: {  	vm3 =	vge.u32 v10, v0;
	vm4 =	vlt.u32 v10, v1;
	vm2 =	vne.s32 v10, v12  }
0x33: {  	vm3 =	vmand vm3, vm4;
	vm2 =	vmor vm2, vm0  }
0x34: {  	v10 =	vsub.s32 v10, v0;
	vm2 =	vmand vm2, vm3  }
0x35: {  	v10 =	vnsel vm2, $0x0, v10;
	_ =	sdelay $0x4  }
0x36: {  	[tilespmem:v10+s15+$0x0] =	vst.idx.msk vm2, v11  }
0x37: {  	v10 =	vld [tilespmem:s0+$0xFFFFFFF0];
	_ =	sdelay $0x4  }
0x38: {  	s4 =	sadd.s32 $0x10, s3;
	v10 =	vshll.u32 v10, $0x4  }
0x39: {  	v11 =	vor.u32 s4, v3;
	v10 =	vxor.u32 v4, v10  }
0x3a: {  	(xrf1) =	vsort.ascd.msk.u32 $0xffff, v10, v11;
	_ =	sdelay $0xd  }
0x3b: {  	v10, v11, _ =	vpop (xrf1)  }
0x3c: {  	v10 =	vxor.u32 $0x80000000, v10  }
0x3d: {  	v61 =	vperm.xlane v10, v5;
	_ =	sdelay $0x1  }
0x3e: {  	v10 =	vshrl.u32 v10, $0x4;
	v12 =	vshrl.u32 v61, $0x4  }
0x3f: {  	vm3 =	vge.u32 v10, v0;
	vm13 =	vlt.u32 v10, v1;
	vm2 =	vne.s32 v10, v12  }
0x40: {  	vm3 =	vmand vm3, vm13;
	vm2 =	vmor vm2, vm0  }
0x41: {  	v10 =	vsub.s32 v10, v0;
	vm2 =	vmand vm2, vm3  }
0x42: {  	v10 =	vnsel vm2, $0x0, v10;
	_ =	sdelay $0x4  }
0x43: {  	[tilespmem:v10+s15+$0x0] =	vst.idx.msk vm2, v11  }
0x44: {  	v10 =	vld [tilespmem:s0+$0x0];
	_ =	sdelay $0x4  }
0x45: {  	s28 =	sadd.s32 $0x20, s3;
	v10 =	vshll.u32 v10, $0x4  }
0x46: {  	v11 =	vor.u32 s28, v3;
	v10 =	vxor.u32 v4, v10  }
0x47: {  	(xrf1) =	vsort.ascd.msk.u32 $0xffff, v10, v11;
	_ =	sdelay $0xd  }
0x48: {  	v10, v11, _ =	vpop (xrf1)  }
0x49: {  	v10 =	vxor.u32 $0x80000000, v10  }
0x4a: {  	v62 =	vperm.xlane v10, v5;
	_ =	sdelay $0x1  }
0x4b: {  	v10 =	vshrl.u32 v10, $0x4;
	v12 =	vshrl.u32 v62, $0x4  }
0x4c: {  	vm3 =	vge.u32 v10, v0;
	vm14 =	vlt.u32 v10, v1;
	vm2 =	vne.s32 v10, v12  }
0x4d: {  	vm3 =	vmand vm3, vm14;
	vm2 =	vmor vm2, vm0  }
0x4e: {  	v10 =	vsub.s32 v10, v0;
	vm2 =	vmand vm2, vm3  }
0x4f: {  	v10 =	vnsel vm2, $0x0, v10;
	_ =	sdelay $0x4  }
0x50: {  	[tilespmem:v10+s15+$0x0] =	vst.idx.msk vm2, v11  }
0x51: {  	v10 =	vld [tilespmem:s0+$0x10];
	_ =	sdelay $0x4  }
0x52: {  	s29 =	sadd.s32 $0x30, s3;
	v10 =	vshll.u32 v10, $0x4  }
0x53: {  	v11 =	vor.u32 s29, v3;
	v10 =	vxor.u32 v4, v10  }
0x54: {  	(xrf1) =	vsort.ascd.msk.u32 $0xffff, v10, v11;
	_ =	sdelay $0xd  }
0x55: {  	v10, v11, _ =	vpop (xrf1)  }
0x56: {  	v10 =	vxor.u32 $0x80000000, v10  }
0x57: {  	v63 =	vperm.xlane v10, v5;
	_ =	sdelay $0x1  }
0x58: {  	v10 =	vshrl.u32 v10, $0x4;
	v12 =	vshrl.u32 v63, $0x4  }
0x59: {  	vm3 =	vge.u32 v10, v0;
	vm15 =	vlt.u32 v10, v1;
	vm2 =	vne.s32 v10, v12  }
0x5a: {  	vm3 =	vmand vm3, vm15;
	vm2 =	vmor vm2, vm0  }
0x5b: {  	v10 =	vsub.s32 v10, v0;
	vm2 =	vmand vm2, vm3  }
0x5c: {  	p0 =	sne.s32 s3, $0x3FC0;
	v10 =	vnsel vm2, $0x0, v10  }
.Ltmp3:
0x5d: {  	_ = 	snop;
	(pc) =	sbr.rel @p0 .LBB2_4-.Ltmp3, $2  }
0x5e: {  	_ =	sdelay $0x2  }
0x5f: {  	s3 =	sadd.s32 $0x40, s3;
	s0 =	sadd.s32 $0x40, s0;
	[tilespmem:v10+s15+$0x0] =	vst.idx.msk vm2, v11  }
0x60: {  	s0 =	simm.s32 $0x0  }
0x61: {  	v10 =	vld [tilespmem:s0+$0x4000];
	_ =	sdelay $0x4  }
0x62: {  	vm2 =	vgt.s32 v10, $0xFFFFFFFF  }
0x63: {  	v11 =	vsel vm2, $0x1, v6  }
0x64: {  	(xrf0) =	vadd.scan.msk.s32 $0xffff, v11;
	_ =	sdelay $0x2  }
0x65: {  	v11 =	vmov s1  }
0x66: {  	v11 =	vadd.s32 $0xFFFFFFFF, v11  }
0x67: {  	v11 =	vbroadcast v11, $0x0  }
0x68: {  	v12, _, _ =	vpop (xrf0)  }
0x69: {  	vm2 =	vmmov vm2;
	v11 =	vadd.s32 v12, v11  }
0x6a: {  	v11 =	vnsel vm2, $0x0, v11  }
0x6b: {  	v13 =	vshra.s32 v11, $0x1F  }
0x6c: {  	v60 =	vshrl.u32 v13, $0x1A  }
0x6d: {  	(v2sf) =	vpush v12, $0xF;
	v12 =	vadd.s32 v60, v11  }
0x6e: {  	v12 =	vshra.s32 v12, $0x6  }
0x6f: {  	v61 =	vshll.u32 v12, $0x6  }
0x70: {  	vm3 =	vlt.s32 v11, $0x1;
	vm4 =	vne.s32 v11, v61  }
0x71: {  	vm3 =	vmand vm3, vm4  }
0x72: {  	v62 =	vsel vm3, $0xFFFFFFFF, v6  }
0x73: {  	v12 =	vadd.s32 v62, v12  }
0x74: {  	v11 =	vand.u32 $0x3F, v11;
	v12 =	vshll.u32 v12, $0x7  }
0x75: {  	v11 =	vor.u32 v11, v12;
	_ =	sdelay $0x3  }
0x76: {  	s7 =	rddreg [dreg:$0x8]  }
0x77: {  	v63 =	vor.u32 s7, v3;
	vm3 =	vgt.s32 v10, $0x0;
	[tilespmem:v11+s16+$0x0] =	vst.idx.msk vm2, v10  }
0x78: {  	[tilespmem:v11+s17+$0x0] =	vst.idx.msk vm2, v63;
	v11 =	vnsel vm3, $0x0, v10;
	_ =	sdelay $0x2  }
0x79: {  	s4 =	simm.s32 $0x10;
	s29 =	spop (v2sf)  }
0x7a: {  	s14 =	simm.s32 $0x80;
	s1 =	smov.u32 s7;
	s3 =	sadd.s32 $0x0, s29;
	v10 =	vld [tilespmem:s4+$0x4000]  }
.LBB2_6:
0x7b: {  	p0 =	sne.s32 s14, $0x31C0;
	v12 =	vld.idx.msk [tilespmem:v11+s13+$0x0], $0xffff  }
0x7c: {  	v13 =	vld [tilespmem:s0+$0x1C480];
	_ =	sdelay $0x2  }
0x7d: {  	vm3 =	vgt.s32 v10, $0xFFFFFFFF;
	vm4 =	vgt.s32 v10, $0x0  }
0x7e: {  	v14 =	vsel vm3, $0x1, v6;
	v11 =	vnsel vm4, $0x0, v10  }
0x7f: {  	(xrf0) =	vadd.scan.msk.s32 $0xffff, v14;
	v12 =	vsel vm2, v12, v13;
	vm2 =	vmmov vm3  }
0x80: {  	[tilespmem:s0+$0x1C480] =	vst v12;
	s0 =	smov.u32 s4;
	_ =	sdelay $0x1  }
0x81: {  	v12 =	vmov s3  }
0x82: {  	v12 =	vadd.s32 $0xFFFFFFFF, v12  }
0x83: {  	v12 =	vbroadcast v12, $0x0  }
0x84: {  	v13, _, _ =	vpop (xrf0)  }
0x85: {  	v12 =	vadd.s32 v13, v12;
	(v2sf) =	vpush v13, $0xF  }
0x86: {  	v12 =	vnsel vm2, $0x0, v12  }
0x87: {  	v13 =	vshra.s32 v12, $0x1F  }
0x88: {  	v13 =	vshrl.u32 v13, $0x1A  }
0x89: {  	v13 =	vadd.s32 v13, v12  }
0x8a: {  	v13 =	vshra.s32 v13, $0x6  }
0x8b: {  	v14 =	vshll.u32 v13, $0x6  }
0x8c: {  	vm3 =	vlt.s32 v12, $0x1;
	vm4 =	vne.s32 v12, v14  }
0x8d: {  	vm3 =	vmand vm3, vm4  }
0x8e: {  	v14 =	vsel vm3, $0xFFFFFFFF, v6  }
0x8f: {  	v13 =	vadd.s32 v14, v13  }
0x90: {  	v12 =	vand.u32 $0x3F, v12;
	v13 =	vshll.u32 v13, $0x7  }
0x91: {  	v12 =	vor.u32 v12, v13;
	_ =	sdelay $0x2  }
.Ltmp4:
0x92: {  	s4 =	spop (v2sf);
	(pc) =	sbr.rel @p0 .LBB2_6-.Ltmp4, $4  }
0x93: {  	s1 =	sadd.s32 $0x10, s1;
	s3 =	sadd.s32 s3, s4  }
0x94: {  	v13 =	vor.u32 s1, v3;
	[tilespmem:v12+s16+$0x0] =	vst.idx.msk vm2, v10  }
0x95: {  	s4 =	sshra.s32 s14, $0x2;
	[tilespmem:v12+s17+$0x0] =	vst.idx.msk vm2, v13  }
0x96: {  	s14 =	sadd.s32 $0x40, s14;
	v10 =	vld [tilespmem:s4+$0x4000]  }
0x97: {  	_ =	sdelay $0x3  }
0x98: {  	vm3 =	vgt.s32 v10, $0xFFFFFFFF  }
0x99: {  	v12 =	vsel vm3, $0x1, v6  }
0x9a: {  	(xrf0) =	vadd.scan.msk.s32 $0xffff, v12;
	_ =	sdelay $0x5  }
0x9b: {  	v12, _, _ =	vpop (xrf0)  }
0x9c: {  	(v2sf) =	vpush v12, $0xF;
	_ =	sdelay $0x3  }
0x9d: {  	v13 =	vmov s3  }
0x9e: {  	v13 =	vadd.s32 $0xFFFFFFFF, v13  }
0x9f: {  	v13 =	vbroadcast v13, $0x0;
	_ =	sdelay $0x1  }
0xa0: {  	vm3 =	vmmov vm3;
	v12 =	vadd.s32 v12, v13  }
0xa1: {  	v12 =	vnsel vm3, $0x0, v12  }
0xa2: {  	v13 =	vshra.s32 v12, $0x1F  }
0xa3: {  	v13 =	vshrl.u32 v13, $0x1A  }
0xa4: {  	v13 =	vadd.s32 v13, v12  }
0xa5: {  	v13 =	vshra.s32 v13, $0x6  }
0xa6: {  	v14 =	vshll.u32 v13, $0x6  }
0xa7: {  	vm4 =	vlt.s32 v12, $0x1;
	vm5 =	vne.s32 v12, v14;
	s14 =	spop (v2sf)  }
0xa8: {  	vm4 =	vmand vm4, vm5;
	s3 =	sadd.s32 s3, s14  }
0xa9: {  	v11 =	vld.idx.msk [tilespmem:v11+s13+$0x0], $0xffff;
	v14 =	vsel vm4, $0xFFFFFFFF, v6;
	s14 =	sadd.s32 $0x7F, s3  }
0xaa: {  	v15 =	vld [tilespmem:s0+$0x1C480];
	v13 =	vadd.s32 v14, v13;
	s10 =	sshra.s32 s14, $0x1F;
	s7 =	sand.u32 $0x7F, s14  }
0xab: {  	v12 =	vand.u32 $0x3F, v12;
	v13 =	vshll.u32 v13, $0x7;
	p0 =	slt.s32 s14, $0x1;
	s10 =	sshrl.u32 s10, $0x19;
	p1 =	sne.s32 s7, $0x0  }
0xac: {  	v12 =	vor.u32 v12, v13;
	s10 =	sadd.s32 s10, s14;
	p0 =	por !p0, !p1;
	s14 =	sadd.s32 $0xFFFFFFFF, s3  }
0xad: {  	s22 =	sshrl.u32 s10, $0x7;
	p0 =	por !p0, !p0;
	s10 =	simm.s32 $0x1  }
0xae: {  	s25 =	sadd.s32 $0x10, s1;
	vm4 =	vgt.s32 v10, $0x0;
	s10 =	simm.s32 @!p0 $0x0;
	p0 =	sgt.s32 s14, $0x0  }
0xaf: {  	v15 =	vsel vm2, v11, v15;
	v13 =	vnsel vm4, $0x0, v10;
	p5 =	slt.s32 s14, $0x1;
	s7 =	ssub.s32 s22, s10;
	s14 =	simm.s32 @!p0 $0x0  }
0xb0: {  	[tilespmem:s0+$0x1C480] =	vst v15;
	s24 =	sadd.s32 $0x0, s3;
	s11 =	sshll.u32 s7, $0x7;
	s23 =	sand.u32 $0x3F, s14  }
0xb1: {  	v15 =	vor.u32 s25, v3;
	[tilespmem:v12+s16+$0x0] =	vst.idx.msk vm3, v10;
	v14 =	vadd.s32 s24, v3;
	p6 =	sne.s32 s23, $0x0;
	v11 =	vmov s11  }
0xb2: {  	[tilespmem:v12+s17+$0x0] =	vst.idx.msk vm3, v15;
	p0 =	por !p5, !p6;
	vm2 =	vlt.s32 v14, v11  }
0xb3: {  	s0 =	simm.s32 $0x1;
	v15 =	vld [tilespmem:s4+$0x1C480];
	p0 =	por !p0, !p0;
	v10 =	vnsel vm2, $0x0, v14  }
0xb4: {  	s26 =	sshrl.u32 s14, $0x6;
	v14 =	vld.idx.msk [tilespmem:v13+s13+$0x0], $0xffff;
	s0 =	simm.s32 @!p0 $0x0;
	v12 =	vshra.s32 v10, $0x1F  }
0xb5: {  	s28 =	sadd.s32 $0x10, s3;
	s0 =	ssub.s32 s26, s0;
	v12 =	vshrl.u32 v12, $0x1A  }
0xb6: {  	v13 =	vadd.s32 s28, v3;
	s0 =	sshll.u32 s0, $0x7;
	v12 =	vadd.s32 v12, v10  }
0xb7: {  	vm4 =	vlt.s32 v13, v11;
	vm5 =	vlt.s32 v10, $0x1;
	s0 =	sor.u32 s23, s0;
	v12 =	vshra.s32 v12, $0x6  }
0xb8: {  	v13 =	vnsel vm4, $0x0, v13;
	v16 =	vmov s0;
	v17 =	vshll.u32 v12, $0x6  }
0xb9: {  	v14 =	vsel vm3, v14, v15;
	v15 =	vshra.s32 v13, $0x1F;
	vm6 =	vne.s32 v10, v17  }
0xba: {  	v15 =	vshrl.u32 v15, $0x1A;
	vm5 =	vmand vm5, vm6  }
0xbb: {  	vm2 =	vmmov vm2;
	[tilespmem:s4+$0x1C480] =	vst v14;
	v14 =	vadd.s32 v15, v13;
	v17 =	vsel vm5, $0xFFFFFFFF, v6  }
0xbc: {  	vm3 =	vmmov vm2;
	v15 =	vshra.s32 v14, $0x6;
	v12 =	vadd.s32 v17, v12  }
0xbd: {  	s29 =	sadd.s32 $0x20, s3;
	vm5 =	vmmov vm4;
	v17 =	vand.u32 $0x3F, v10;
	v12 =	vshll.u32 v12, $0x7;
	v10 =	vld.idx.msk [tilespmem:v16+s16+$0x0], $0xffff  }
0xbe: {  	s0 =	simm.s32 $0x30;
	v14 =	vor.u32 v17, v12;
	v12 =	vld.idx.msk [tilespmem:v16+s17+$0x0], $0xffff;
	v16 =	vadd.s32 s29, v3;
	v17 =	vshll.u32 v15, $0x6  }
.LBB2_8:
0xbf: {  	vm6 =	vmmov vm4  }
0xc0: {  	p0 =	sne.s32 s0, $0x70;
	vm4 =	vlt.s32 v16, v11;
	vm7 =	vlt.s32 v13, $0x1;
	vm8 =	vne.s32 v13, v17  }
0xc1: {  	v16 =	vnsel vm4, $0x0, v16;
	vm7 =	vmand vm7, vm8  }
.Ltmp5:
0xc2: {  	v17 =	vshra.s32 v16, $0x1F;
	v18 =	vsel vm7, $0xFFFFFFFF, v6;
	(pc) =	sbr.rel @p0 .LBB2_8-.Ltmp5, $4  }
0xc3: {  	v17 =	vshrl.u32 v17, $0x1A;
	v15 =	vadd.s32 v18, v15;
	[tilespmem:v14+s16+$0x0] =	vst.idx.msk vm2, v10;
	vm2 =	vmmov vm6  }
0xc4: {  	v18 =	vand.u32 $0x3F, v13;
	v13 =	vmovc v16;
	v17 =	vadd.s32 v17, v16;
	v19 =	vshll.u32 v15, $0x7;
	[tilespmem:v14+s17+$0x0] =	vst.idx.msk vm3, v12  }
0xc5: {  	s1 =	sadd.s32 s0, s3;
	v15 =	vshra.s32 v17, $0x6;
	v14 =	vor.u32 v18, v19;
	vm3 =	vmmov vm5  }
0xc6: {  	s0 =	sadd.s32 $0x10, s0;
	v16 =	vadd.s32 s1, v3;
	vm5 =	vmmov vm4;
	v17 =	vshll.u32 v15, $0x6  }
0xc7: {  	vm6 =	vlt.s32 v16, v11  }
0xc8: {  	v11 =	vnsel vm6, $0x0, v16  }
0xc9: {  	v16 =	vshra.s32 v11, $0x1F  }
0xca: {  	v16 =	vshrl.u32 v16, $0x1A  }
0xcb: {  	v16 =	vadd.s32 v16, v11  }
0xcc: {  	vm7 =	vlt.s32 v13, $0x1;
	vm8 =	vne.s32 v13, v17;
	v16 =	vshra.s32 v16, $0x6  }
0xcd: {  	vm7 =	vmand vm7, vm8;
	v59 =	vshll.u32 v16, $0x6  }
0xce: {  	v60 =	vsel vm7, $0xFFFFFFFF, v6;
	vm14 =	vlt.s32 v11, $0x1;
	vm13 =	vne.s32 v11, v59  }
0xcf: {  	vm4 =	vmmov vm4;
	v15 =	vadd.s32 v60, v15;
	vm7 =	vmand vm14, vm13  }
0xd0: {  	v61 =	vand.u32 $0x3F, v13;
	v15 =	vshll.u32 v15, $0x7;
	v62 =	vsel vm7, $0xFFFFFFFF, v6  }
0xd1: {  	vm5 =	vmmov vm5;
	v13 =	vor.u32 v61, v15;
	v63 =	vadd.s32 v62, v16  }
0xd2: {  	vm6 =	vmmov vm6;
	v11 =	vand.u32 $0x3F, v11;
	v15 =	vshll.u32 v63, $0x7  }
0xd3: {  	v11 =	vor.u32 v11, v15  }
0xd4: {  	[tilespmem:v14+s16+$0x0] =	vst.idx.msk vm2, v10  }
0xd5: {  	[tilespmem:v14+s17+$0x0] =	vst.idx.msk vm3, v12  }
0xd6: {  	[tilespmem:v13+s16+$0x0] =	vst.idx.msk vm4, v10  }
0xd7: {  	s4 =	sshra.s32 s11, $0x7;
	[tilespmem:v13+s17+$0x0] =	vst.idx.msk vm5, v12  }
0xd8: {  	s0 =	rddreg [dreg:$0x6];
	p0 =	slt.s32 s4, $0x1;
	[tilespmem:v11+s16+$0x0] =	vst.idx.msk vm6, v10  }
.Ltmp6:
0xd9: {  	s1 =	simm.s32 $0x1C480;
	s29 =	simm.s32 $0x3;
	[tilespmem:v11+s17+$0x0] =	vst.idx.msk vm6, v12;
	(pc) =	sbr.rel @p0 .LBB2_12-.Ltmp6, $4  }
0xda: {  	[hbm4b:s0+s6] =	stream.linear.scatter [tilespmem:s1], [sflag:$0x3], $0xC80, $0x38;
	[tilespmem:$0x1D100] =	vst v63  }
0xdb: {  	_ =	swait.ge [sflag:s29], $0xC80  }
0xdc: {  	[sflag:s29] =	ssyncset.done $0x0  }
0xdd: {  	vm15 =	vmmov vm6;
	[sflag:s29] =	ssyncadd.s32 $0xFFFFF380  }
0xde: {  	s0 =	simm.s32 $0x6900;
	s1 =	simm.s32 $0x4D00  }
.LBB2_11:
0xdf: {  	v10 =	vld [tilespmem:s1+$0xFFFFFF80];
	_ =	sdelay $0x4  }
0xe0: {  	v11 =	vshll.u32 v10, $0x2  }
0xe1: {  	v10 =	vand.u32 $0x7, v10;
	v11 =	vand.u32 $0xFFFFFFE0, v11  }
0xe2: {  	v10 =	vor.u32 v10, v11  }
0xe3: {  	v11 =	vperm.xlane v10, v7;
	_ =	sdelay $0x1  }
0xe4: {  	v11 =	vadd.s32 v8, v11;
	_ =	sdelay $0x1  }
0xe5: {  	v10 =	vperm.xlane v10, v9;
	_ =	sdelay $0x1  }
0xe6: {  	v10 =	vadd.s32 v8, v10  }
0xe7: {  	[tilespmem:s30], [sflag:$0x1] =	stream.indirect_vreg.gather [hbm4b:s2+s6], $0x80, v11, vm1, $0xb8;
	[tilespmem:$0x1D100] =	vst v63  }
0xe8: {  	s7 =	simm.s32 $0x8C80  }
0xe9: {  	[tilespmem:s7], [sflag:$0x1] =	stream.indirect_vreg.gather [hbm4b:s8+s6], $0x80, v11, vm1, $0xb8;
	[tilespmem:$0x1D100] =	vst v63  }
0xea: {  	s3 =	simm.s32 $0x9480  }
0xeb: {  	[tilespmem:s3], [sflag:$0x1] =	stream.indirect_vreg.gather [hbm4b:s2+s6], $0x80, v10, vm1, $0xb8;
	[tilespmem:$0x1D100] =	vst v63  }
0xec: {  	s14 =	simm.s32 $0x9C80  }
0xed: {  	[tilespmem:s14], [sflag:$0x1] =	stream.indirect_vreg.gather [hbm4b:s8+s6], $0x80, v10, vm1, $0xb8;
	[tilespmem:$0x1D100] =	vst v63  }
0xee: {  	v10 =	vld [tilespmem:s1+$0xFFFFFF90];
	_ =	sdelay $0x4  }
0xef: {  	v11 =	vshll.u32 v10, $0x2  }
0xf0: {  	v10 =	vand.u32 $0x7, v10;
	v11 =	vand.u32 $0xFFFFFFE0, v11  }
0xf1: {  	v10 =	vor.u32 v10, v11  }
0xf2: {  	v11 =	vperm.xlane v10, v7;
	_ =	sdelay $0x1  }
0xf3: {  	v11 =	vadd.s32 v8, v11;
	_ =	sdelay $0x1  }
0xf4: {  	v10 =	vperm.xlane v10, v9;
	_ =	sdelay $0x1  }
0xf5: {  	s14 =	simm.s32 $0xA480;
	v10 =	vadd.s32 v8, v10  }
0xf6: {  	[tilespmem:s14], [sflag:$0x1] =	stream.indirect_vreg.gather [hbm4b:s2+s6], $0x80, v11, vm1, $0xb8;
	[tilespmem:$0x1D100] =	vst v63  }
0xf7: {  	s10 =	simm.s32 $0xAC80  }
0xf8: {  	[tilespmem:s10], [sflag:$0x1] =	stream.indirect_vreg.gather [hbm4b:s8+s6], $0x80, v11, vm1, $0xb8;
	[tilespmem:$0x1D100] =	vst v63  }
0xf9: {  	s10 =	simm.s32 $0xB480  }
0xfa: {  	[tilespmem:s10], [sflag:$0x1] =	stream.indirect_vreg.gather [hbm4b:s2+s6], $0x80, v10, vm1, $0xb8;
	[tilespmem:$0x1D100] =	vst v63  }
0xfb: {  	s11 =	simm.s32 $0xBC80  }
0xfc: {  	[tilespmem:s11], [sflag:$0x1] =	stream.indirect_vreg.gather [hbm4b:s8+s6], $0x80, v10, vm1, $0xb8;
	[tilespmem:$0x1D100] =	vst v63  }
0xfd: {  	v10 =	vld [tilespmem:s1+$0xFFFFFFA0];
	_ =	sdelay $0x4  }
0xfe: {  	v11 =	vshll.u32 v10, $0x2  }
0xff: {  	v10 =	vand.u32 $0x7, v10;
	v11 =	vand.u32 $0xFFFFFFE0, v11  }
0x100: {  	v10 =	vor.u32 v10, v11  }
0x101: {  	v11 =	vperm.xlane v10, v7;
	_ =	sdelay $0x1  }
0x102: {  	v11 =	vadd.s32 v8, v11;
	_ =	sdelay $0x1  }
0x103: {  	v10 =	vperm.xlane v10, v9;
	_ =	sdelay $0x1  }
0x104: {  	s11 =	simm.s32 $0xC480;
	v10 =	vadd.s32 v8, v10  }
0x105: {  	[tilespmem:s11], [sflag:$0x1] =	stream.indirect_vreg.gather [hbm4b:s2+s6], $0x80, v11, vm1, $0xb8;
	[tilespmem:$0x1D100] =	vst v63  }
0x106: {  	s12 =	simm.s32 $0xCC80  }
0x107: {  	[tilespmem:s12], [sflag:$0x1] =	stream.indirect_vreg.gather [hbm4b:s8+s6], $0x80, v11, vm1, $0xb8;
	[tilespmem:$0x1D100] =	vst v63  }
0x108: {  	s12 =	simm.s32 $0xD480  }
0x109: {  	[tilespmem:s12], [sflag:$0x1] =	stream.indirect_vreg.gather [hbm4b:s2+s6], $0x80, v10, vm1, $0xb8;
	[tilespmem:$0x1D100] =	vst v63  }
0x10a: {  	s19 =	simm.s32 $0xDC80  }
0x10b: {  	[tilespmem:s19], [sflag:$0x1] =	stream.indirect_vreg.gather [hbm4b:s8+s6], $0x80, v10, vm1, $0xb8;
	[tilespmem:$0x1D100] =	vst v63  }
0x10c: {  	v10 =	vld [tilespmem:s1+$0xFFFFFFB0];
	_ =	sdelay $0x4  }
0x10d: {  	v11 =	vshll.u32 v10, $0x2  }
0x10e: {  	v10 =	vand.u32 $0x7, v10;
	v11 =	vand.u32 $0xFFFFFFE0, v11  }
0x10f: {  	v10 =	vor.u32 v10, v11  }
0x110: {  	v11 =	vperm.xlane v10, v7;
	_ =	sdelay $0x1  }
0x111: {  	v11 =	vadd.s32 v8, v11;
	_ =	sdelay $0x1  }
0x112: {  	v10 =	vperm.xlane v10, v9;
	_ =	sdelay $0x1  }
0x113: {  	s19 =	simm.s32 $0xE480;
	v10 =	vadd.s32 v8, v10  }
0x114: {  	[tilespmem:s19], [sflag:$0x1] =	stream.indirect_vreg.gather [hbm4b:s2+s6], $0x80, v11, vm1, $0xb8;
	[tilespmem:$0x1D100] =	vst v63  }
0x115: {  	s20 =	simm.s32 $0xEC80  }
0x116: {  	[tilespmem:s20], [sflag:$0x1] =	stream.indirect_vreg.gather [hbm4b:s8+s6], $0x80, v11, vm1, $0xb8;
	[tilespmem:$0x1D100] =	vst v63  }
0x117: {  	s20 =	simm.s32 $0xF480  }
0x118: {  	[tilespmem:s20], [sflag:$0x1] =	stream.indirect_vreg.gather [hbm4b:s2+s6], $0x80, v10, vm1, $0xb8;
	[tilespmem:$0x1D100] =	vst v63  }
0x119: {  	s21 =	simm.s32 $0xFC80  }
0x11a: {  	[tilespmem:s21], [sflag:$0x1] =	stream.indirect_vreg.gather [hbm4b:s8+s6], $0x80, v10, vm1, $0xb8;
	[tilespmem:$0x1D100] =	vst v63  }
0x11b: {  	v10 =	vld [tilespmem:s1+$0x0];
	_ =	sdelay $0x4  }
0x11c: {  	v11 =	vshll.u32 v10, $0x2  }
0x11d: {  	v10 =	vand.u32 $0x7, v10;
	v11 =	vand.u32 $0xFFFFFFE0, v11  }
0x11e: {  	v10 =	vor.u32 v10, v11  }
0x11f: {  	v11 =	vperm.xlane v10, v7;
	_ =	sdelay $0x1  }
0x120: {  	v11 =	vadd.s32 v8, v11;
	_ =	sdelay $0x1  }
0x121: {  	v10 =	vperm.xlane v10, v9;
	_ =	sdelay $0x1  }
0x122: {  	s21 =	simm.s32 $0x10480;
	v10 =	vadd.s32 v8, v10  }
0x123: {  	[tilespmem:s21], [sflag:$0x2] =	stream.indirect_vreg.gather [hbm4b:s2+s6], $0x80, v11, vm1, $0xb8;
	[tilespmem:$0x1D100] =	vst v63  }
0x124: {  	s22 =	simm.s32 $0x10C80  }
0x125: {  	[tilespmem:s22], [sflag:$0x2] =	stream.indirect_vreg.gather [hbm4b:s8+s6], $0x80, v11, vm1, $0xb8;
	[tilespmem:$0x1D100] =	vst v63  }
0x126: {  	s22 =	simm.s32 $0x11480  }
0x127: {  	[tilespmem:s22], [sflag:$0x2] =	stream.indirect_vreg.gather [hbm4b:s2+s6], $0x80, v10, vm1, $0xb8;
	[tilespmem:$0x1D100] =	vst v63  }
0x128: {  	s23 =	simm.s32 $0x11C80  }
0x129: {  	[tilespmem:s23], [sflag:$0x2] =	stream.indirect_vreg.gather [hbm4b:s8+s6], $0x80, v10, vm1, $0xb8;
	[tilespmem:$0x1D100] =	vst v63  }
0x12a: {  	v10 =	vld [tilespmem:s1+$0x10];
	_ =	sdelay $0x4  }
0x12b: {  	v11 =	vshll.u32 v10, $0x2  }
0x12c: {  	v10 =	vand.u32 $0x7, v10;
	v11 =	vand.u32 $0xFFFFFFE0, v11  }
0x12d: {  	v10 =	vor.u32 v10, v11  }
0x12e: {  	v11 =	vperm.xlane v10, v7;
	_ =	sdelay $0x1  }
0x12f: {  	v11 =	vadd.s32 v8, v11;
	_ =	sdelay $0x1  }
0x130: {  	v10 =	vperm.xlane v10, v9;
	_ =	sdelay $0x1  }
0x131: {  	s23 =	simm.s32 $0x12480;
	v10 =	vadd.s32 v8, v10  }
0x132: {  	[tilespmem:s23], [sflag:$0x2] =	stream.indirect_vreg.gather [hbm4b:s2+s6], $0x80, v11, vm1, $0xb8;
	[tilespmem:$0x1D100] =	vst v63  }
0x133: {  	s24 =	simm.s32 $0x12C80  }
0x134: {  	[tilespmem:s24], [sflag:$0x2] =	stream.indirect_vreg.gather [hbm4b:s8+s6], $0x80, v11, vm1, $0xb8;
	[tilespmem:$0x1D100] =	vst v63  }
0x135: {  	s24 =	simm.s32 $0x13480  }
0x136: {  	[tilespmem:s24], [sflag:$0x2] =	stream.indirect_vreg.gather [hbm4b:s2+s6], $0x80, v10, vm1, $0xb8;
	[tilespmem:$0x1D100] =	vst v63  }
0x137: {  	s18 =	simm.s32 $0x13C80  }
0x138: {  	[tilespmem:s18], [sflag:$0x2] =	stream.indirect_vreg.gather [hbm4b:s8+s6], $0x80, v10, vm1, $0xb8;
	[tilespmem:$0x1D100] =	vst v63  }
0x139: {  	v10 =	vld [tilespmem:s1+$0x20];
	_ =	sdelay $0x4  }
0x13a: {  	v11 =	vshll.u32 v10, $0x2  }
0x13b: {  	v10 =	vand.u32 $0x7, v10;
	v11 =	vand.u32 $0xFFFFFFE0, v11  }
0x13c: {  	v10 =	vor.u32 v10, v11  }
0x13d: {  	v11 =	vperm.xlane v10, v7;
	_ =	sdelay $0x1  }
0x13e: {  	v11 =	vadd.s32 v8, v11;
	_ =	sdelay $0x1  }
0x13f: {  	v10 =	vperm.xlane v10, v9;
	_ =	sdelay $0x1  }
0x140: {  	s25 =	simm.s32 $0x14480;
	v10 =	vadd.s32 v8, v10  }
0x141: {  	[tilespmem:s25], [sflag:$0x2] =	stream.indirect_vreg.gather [hbm4b:s2+s6], $0x80, v11, vm1, $0xb8;
	[tilespmem:$0x1D100] =	vst v63  }
0x142: {  	s25 =	simm.s32 $0x14C80  }
0x143: {  	[tilespmem:s25], [sflag:$0x2] =	stream.indirect_vreg.gather [hbm4b:s8+s6], $0x80, v11, vm1, $0xb8;
	[tilespmem:$0x1D100] =	vst v63  }
0x144: {  	s26 =	simm.s32 $0x15480  }
0x145: {  	[tilespmem:s26], [sflag:$0x2] =	stream.indirect_vreg.gather [hbm4b:s2+s6], $0x80, v10, vm1, $0xb8;
	[tilespmem:$0x1D100] =	vst v63  }
0x146: {  	s26 =	simm.s32 $0x15C80  }
0x147: {  	[tilespmem:s26], [sflag:$0x2] =	stream.indirect_vreg.gather [hbm4b:s8+s6], $0x80, v10, vm1, $0xb8;
	[tilespmem:$0x1D100] =	vst v63  }
0x148: {  	v10 =	vld [tilespmem:s1+$0x30];
	_ =	sdelay $0x4  }
0x149: {  	v11 =	vshll.u32 v10, $0x2  }
0x14a: {  	v10 =	vand.u32 $0x7, v10;
	v11 =	vand.u32 $0xFFFFFFE0, v11  }
0x14b: {  	v10 =	vor.u32 v10, v11  }
0x14c: {  	v11 =	vperm.xlane v10, v7;
	_ =	sdelay $0x1  }
0x14d: {  	v11 =	vadd.s32 v8, v11;
	_ =	sdelay $0x1  }
0x14e: {  	v10 =	vperm.xlane v10, v9;
	_ =	sdelay $0x1  }
0x14f: {  	s28 =	simm.s32 $0x16480;
	v10 =	vadd.s32 v8, v10  }
0x150: {  	[tilespmem:s28], [sflag:$0x2] =	stream.indirect_vreg.gather [hbm4b:s2+s6], $0x80, v11, vm1, $0xb8;
	[tilespmem:$0x1D100] =	vst v63  }
0x151: {  	s28 =	simm.s32 $0x16C80  }
0x152: {  	[tilespmem:s28], [sflag:$0x2] =	stream.indirect_vreg.gather [hbm4b:s8+s6], $0x80, v11, vm1, $0xb8;
	[tilespmem:$0x1D100] =	vst v63  }
0x153: {  	s29 =	simm.s32 $0x17480  }
0x154: {  	[tilespmem:s29], [sflag:$0x2] =	stream.indirect_vreg.gather [hbm4b:s2+s6], $0x80, v10, vm1, $0xb8;
	[tilespmem:$0x1D100] =	vst v63  }
0x155: {  	s18 =	simm.s32 $0x1;
	s29 =	simm.s32 $0x17C80  }
0x156: {  	[tilespmem:s29], [sflag:$0x2] =	stream.indirect_vreg.gather [hbm4b:s8+s6], $0x80, v10, vm1, $0xb8;
	[tilespmem:$0x1D100] =	vst v63  }
0x157: {  	_ =	swait.ge [sflag:s18], $0x8000  }
0x158: {  	[sflag:s18] =	ssyncset.done $0x0  }
0x159: {  	[sflag:s18] =	ssyncadd.s32 $0xFFFF8000  }
0x15a: {  	v10 =	vld [tilespmem:s0+$0xFFFFFF80];
	_ =	sdelay $0x4  }
0x15b: {  	v11 =	vshll.u32 v10, $0x2  }
0x15c: {  	v10 =	vand.u32 $0x7, v10;
	v11 =	vand.u32 $0xFFFFFFE0, v11  }
0x15d: {  	v10 =	vor.u32 v10, v11  }
0x15e: {  	v11 =	vperm.xlane v10, v7;
	_ =	sdelay $0x1  }
0x15f: {  	v11 =	vadd.s32 v8, v11;
	_ =	sdelay $0x1  }
0x160: {  	v10 =	vperm.xlane v10, v9;
	_ =	sdelay $0x1  }
0x161: {  	v10 =	vadd.s32 v8, v10  }
0x162: {  	[hbm4b:s5+s6] =	stream.indirect_vreg.scatter [tilespmem:s30], [sflag:$0x1], $0x80, v11, vm1, $0xb8;
	[tilespmem:$0x1D100] =	vst v63  }
0x163: {  	s3 =	simm.s32 $0x8C80  }
0x164: {  	[hbm4b:s9+s6] =	stream.indirect_vreg.scatter [tilespmem:s3], [sflag:$0x1], $0x80, v11, vm1, $0xb8;
	[tilespmem:$0x1D100] =	vst v63  }
0x165: {  	s7 =	simm.s32 $0x9480  }
0x166: {  	[hbm4b:s5+s6] =	stream.indirect_vreg.scatter [tilespmem:s7], [sflag:$0x1], $0x80, v10, vm1, $0xb8;
	[tilespmem:$0x1D100] =	vst v63  }
0x167: {  	s7 =	simm.s32 $0x9C80  }
0x168: {  	[hbm4b:s9+s6] =	stream.indirect_vreg.scatter [tilespmem:s7], [sflag:$0x1], $0x80, v10, vm1, $0xb8;
	[tilespmem:$0x1D100] =	vst v63  }
0x169: {  	v10 =	vld [tilespmem:s0+$0xFFFFFF90];
	_ =	sdelay $0x4  }
0x16a: {  	v11 =	vshll.u32 v10, $0x2  }
0x16b: {  	v10 =	vand.u32 $0x7, v10;
	v11 =	vand.u32 $0xFFFFFFE0, v11  }
0x16c: {  	v10 =	vor.u32 v10, v11  }
0x16d: {  	v11 =	vperm.xlane v10, v7;
	_ =	sdelay $0x1  }
0x16e: {  	v11 =	vadd.s32 v8, v11;
	_ =	sdelay $0x1  }
0x16f: {  	v10 =	vperm.xlane v10, v9;
	_ =	sdelay $0x1  }
0x170: {  	v10 =	vadd.s32 v8, v10  }
0x171: {  	[hbm4b:s5+s6] =	stream.indirect_vreg.scatter [tilespmem:s14], [sflag:$0x1], $0x80, v11, vm1, $0xb8;
	[tilespmem:$0x1D100] =	vst v63  }
0x172: {  	s7 =	simm.s32 $0xAC80  }
0x173: {  	[hbm4b:s9+s6] =	stream.indirect_vreg.scatter [tilespmem:s7], [sflag:$0x1], $0x80, v11, vm1, $0xb8;
	[tilespmem:$0x1D100] =	vst v63  }
0x174: {  	_ = 	snop  }
0x175: {  	[hbm4b:s5+s6] =	stream.indirect_vreg.scatter [tilespmem:s10], [sflag:$0x1], $0x80, v10, vm1, $0xb8;
	[tilespmem:$0x1D100] =	vst v63  }
0x176: {  	s7 =	simm.s32 $0xBC80  }
0x177: {  	[hbm4b:s9+s6] =	stream.indirect_vreg.scatter [tilespmem:s7], [sflag:$0x1], $0x80, v10, vm1, $0xb8;
	[tilespmem:$0x1D100] =	vst v63  }
0x178: {  	v10 =	vld [tilespmem:s0+$0xFFFFFFA0];
	_ =	sdelay $0x4  }
0x179: {  	v11 =	vshll.u32 v10, $0x2  }
0x17a: {  	v10 =	vand.u32 $0x7, v10;
	v11 =	vand.u32 $0xFFFFFFE0, v11  }
0x17b: {  	v10 =	vor.u32 v10, v11  }
0x17c: {  	v11 =	vperm.xlane v10, v7;
	_ =	sdelay $0x1  }
0x17d: {  	v11 =	vadd.s32 v8, v11;
	_ =	sdelay $0x1  }
0x17e: {  	v10 =	vperm.xlane v10, v9;
	_ =	sdelay $0x1  }
0x17f: {  	v10 =	vadd.s32 v8, v10  }
0x180: {  	[hbm4b:s5+s6] =	stream.indirect_vreg.scatter [tilespmem:s11], [sflag:$0x1], $0x80, v11, vm1, $0xb8;
	[tilespmem:$0x1D100] =	vst v63  }
0x181: {  	s10 =	simm.s32 $0xCC80  }
0x182: {  	[hbm4b:s9+s6] =	stream.indirect_vreg.scatter [tilespmem:s10], [sflag:$0x1], $0x80, v11, vm1, $0xb8;
	[tilespmem:$0x1D100] =	vst v63  }
0x183: {  	_ = 	snop  }
0x184: {  	[hbm4b:s5+s6] =	stream.indirect_vreg.scatter [tilespmem:s12], [sflag:$0x1], $0x80, v10, vm1, $0xb8;
	[tilespmem:$0x1D100] =	vst v63  }
0x185: {  	s11 =	simm.s32 $0xDC80  }
0x186: {  	[hbm4b:s9+s6] =	stream.indirect_vreg.scatter [tilespmem:s11], [sflag:$0x1], $0x80, v10, vm1, $0xb8;
	[tilespmem:$0x1D100] =	vst v63  }
0x187: {  	v10 =	vld [tilespmem:s0+$0xFFFFFFB0];
	_ =	sdelay $0x4  }
0x188: {  	v11 =	vshll.u32 v10, $0x2  }
0x189: {  	v10 =	vand.u32 $0x7, v10;
	v11 =	vand.u32 $0xFFFFFFE0, v11  }
0x18a: {  	v10 =	vor.u32 v10, v11  }
0x18b: {  	v11 =	vperm.xlane v10, v7;
	_ =	sdelay $0x1  }
0x18c: {  	v11 =	vadd.s32 v8, v11;
	_ =	sdelay $0x1  }
0x18d: {  	v10 =	vperm.xlane v10, v9;
	_ =	sdelay $0x1  }
0x18e: {  	v10 =	vadd.s32 v8, v10  }
0x18f: {  	[hbm4b:s5+s6] =	stream.indirect_vreg.scatter [tilespmem:s19], [sflag:$0x1], $0x80, v11, vm1, $0xb8;
	[tilespmem:$0x1D100] =	vst v63  }
0x190: {  	s12 =	simm.s32 $0xEC80  }
0x191: {  	[hbm4b:s9+s6] =	stream.indirect_vreg.scatter [tilespmem:s12], [sflag:$0x1], $0x80, v11, vm1, $0xb8;
	[tilespmem:$0x1D100] =	vst v63  }
0x192: {  	_ = 	snop  }
0x193: {  	[hbm4b:s5+s6] =	stream.indirect_vreg.scatter [tilespmem:s20], [sflag:$0x1], $0x80, v10, vm1, $0xb8;
	[tilespmem:$0x1D100] =	vst v63  }
0x194: {  	s14 =	simm.s32 $0xFC80  }
0x195: {  	[hbm4b:s9+s6] =	stream.indirect_vreg.scatter [tilespmem:s14], [sflag:$0x1], $0x80, v10, vm1, $0xb8;
	[tilespmem:$0x1D100] =	vst v63  }
0x196: {  	_ =	swait.ge [sflag:s31], $0x8000  }
0x197: {  	[sflag:s31] =	ssyncset.done $0x0  }
0x198: {  	[sflag:s31] =	ssyncadd.s32 $0xFFFF8000  }
0x199: {  	v10 =	vld [tilespmem:s0+$0x0];
	_ =	sdelay $0x4  }
0x19a: {  	v11 =	vshll.u32 v10, $0x2  }
0x19b: {  	v10 =	vand.u32 $0x7, v10;
	v11 =	vand.u32 $0xFFFFFFE0, v11  }
0x19c: {  	v10 =	vor.u32 v10, v11  }
0x19d: {  	v11 =	vperm.xlane v10, v7;
	_ =	sdelay $0x1  }
0x19e: {  	v11 =	vadd.s32 v8, v11;
	_ =	sdelay $0x1  }
0x19f: {  	v10 =	vperm.xlane v10, v9;
	_ =	sdelay $0x1  }
0x1a0: {  	v10 =	vadd.s32 v8, v10  }
0x1a1: {  	[hbm4b:s5+s6] =	stream.indirect_vreg.scatter [tilespmem:s21], [sflag:$0x2], $0x80, v11, vm1, $0xb8;
	[tilespmem:$0x1D100] =	vst v63  }
0x1a2: {  	s19 =	simm.s32 $0x10C80  }
0x1a3: {  	[hbm4b:s9+s6] =	stream.indirect_vreg.scatter [tilespmem:s19], [sflag:$0x2], $0x80, v11, vm1, $0xb8;
	[tilespmem:$0x1D100] =	vst v63  }
0x1a4: {  	_ = 	snop  }
0x1a5: {  	[hbm4b:s5+s6] =	stream.indirect_vreg.scatter [tilespmem:s22], [sflag:$0x2], $0x80, v10, vm1, $0xb8;
	[tilespmem:$0x1D100] =	vst v63  }
0x1a6: {  	s20 =	simm.s32 $0x11C80  }
0x1a7: {  	[hbm4b:s9+s6] =	stream.indirect_vreg.scatter [tilespmem:s20], [sflag:$0x2], $0x80, v10, vm1, $0xb8;
	[tilespmem:$0x1D100] =	vst v63  }
0x1a8: {  	v10 =	vld [tilespmem:s0+$0x10];
	_ =	sdelay $0x4  }
0x1a9: {  	v11 =	vshll.u32 v10, $0x2  }
0x1aa: {  	v10 =	vand.u32 $0x7, v10;
	v11 =	vand.u32 $0xFFFFFFE0, v11  }
0x1ab: {  	v10 =	vor.u32 v10, v11  }
0x1ac: {  	v11 =	vperm.xlane v10, v7;
	_ =	sdelay $0x1  }
0x1ad: {  	v11 =	vadd.s32 v8, v11;
	_ =	sdelay $0x1  }
0x1ae: {  	v10 =	vperm.xlane v10, v9;
	_ =	sdelay $0x1  }
0x1af: {  	v10 =	vadd.s32 v8, v10  }
0x1b0: {  	[hbm4b:s5+s6] =	stream.indirect_vreg.scatter [tilespmem:s23], [sflag:$0x2], $0x80, v11, vm1, $0xb8;
	[tilespmem:$0x1D100] =	vst v63  }
0x1b1: {  	s21 =	simm.s32 $0x12C80  }
0x1b2: {  	[hbm4b:s9+s6] =	stream.indirect_vreg.scatter [tilespmem:s21], [sflag:$0x2], $0x80, v11, vm1, $0xb8;
	[tilespmem:$0x1D100] =	vst v63  }
0x1b3: {  	_ = 	snop  }
0x1b4: {  	[hbm4b:s5+s6] =	stream.indirect_vreg.scatter [tilespmem:s24], [sflag:$0x2], $0x80, v10, vm1, $0xb8;
	[tilespmem:$0x1D100] =	vst v63  }
0x1b5: {  	s22 =	simm.s32 $0x13C80  }
0x1b6: {  	[hbm4b:s9+s6] =	stream.indirect_vreg.scatter [tilespmem:s22], [sflag:$0x2], $0x80, v10, vm1, $0xb8;
	[tilespmem:$0x1D100] =	vst v63  }
0x1b7: {  	v10 =	vld [tilespmem:s0+$0x20];
	_ =	sdelay $0x4  }
0x1b8: {  	v11 =	vshll.u32 v10, $0x2  }
0x1b9: {  	v10 =	vand.u32 $0x7, v10;
	v11 =	vand.u32 $0xFFFFFFE0, v11  }
0x1ba: {  	v10 =	vor.u32 v10, v11  }
0x1bb: {  	v11 =	vperm.xlane v10, v7;
	_ =	sdelay $0x1  }
0x1bc: {  	v11 =	vadd.s32 v8, v11;
	_ =	sdelay $0x1  }
0x1bd: {  	v10 =	vperm.xlane v10, v9;
	_ =	sdelay $0x1  }
0x1be: {  	s23 =	simm.s32 $0x14480;
	v10 =	vadd.s32 v8, v10  }
0x1bf: {  	[hbm4b:s5+s6] =	stream.indirect_vreg.scatter [tilespmem:s23], [sflag:$0x2], $0x80, v11, vm1, $0xb8;
	[tilespmem:$0x1D100] =	vst v63  }
0x1c0: {  	_ = 	snop  }
0x1c1: {  	[hbm4b:s9+s6] =	stream.indirect_vreg.scatter [tilespmem:s25], [sflag:$0x2], $0x80, v11, vm1, $0xb8;
	[tilespmem:$0x1D100] =	vst v63  }
0x1c2: {  	s24 =	simm.s32 $0x15480  }
0x1c3: {  	[hbm4b:s5+s6] =	stream.indirect_vreg.scatter [tilespmem:s24], [sflag:$0x2], $0x80, v10, vm1, $0xb8;
	[tilespmem:$0x1D100] =	vst v63  }
0x1c4: {  	_ = 	snop  }
0x1c5: {  	[hbm4b:s9+s6] =	stream.indirect_vreg.scatter [tilespmem:s26], [sflag:$0x2], $0x80, v10, vm1, $0xb8;
	[tilespmem:$0x1D100] =	vst v63  }
0x1c6: {  	v10 =	vld [tilespmem:s0+$0x30];
	_ =	sdelay $0x4  }
0x1c7: {  	v11 =	vshll.u32 v10, $0x2  }
0x1c8: {  	v10 =	vand.u32 $0x7, v10;
	v11 =	vand.u32 $0xFFFFFFE0, v11  }
0x1c9: {  	v10 =	vor.u32 v10, v11  }
0x1ca: {  	v11 =	vperm.xlane v10, v7;
	_ =	sdelay $0x1  }
0x1cb: {  	v11 =	vadd.s32 v8, v11;
	_ =	sdelay $0x1  }
0x1cc: {  	v10 =	vperm.xlane v10, v9;
	_ =	sdelay $0x1  }
0x1cd: {  	s25 =	simm.s32 $0x16480;
	v10 =	vadd.s32 v8, v10  }
0x1ce: {  	[hbm4b:s5+s6] =	stream.indirect_vreg.scatter [tilespmem:s25], [sflag:$0x2], $0x80, v11, vm1, $0xb8;
	[tilespmem:$0x1D100] =	vst v63  }
0x1cf: {  	_ = 	snop  }
0x1d0: {  	[hbm4b:s9+s6] =	stream.indirect_vreg.scatter [tilespmem:s28], [sflag:$0x2], $0x80, v11, vm1, $0xb8;
	[tilespmem:$0x1D100] =	vst v63  }
0x1d1: {  	s26 =	simm.s32 $0x17480  }
0x1d2: {  	[hbm4b:s5+s6] =	stream.indirect_vreg.scatter [tilespmem:s26], [sflag:$0x2], $0x80, v10, vm1, $0xb8;
	[tilespmem:$0x1D100] =	vst v63  }
0x1d3: {  	_ = 	snop  }
0x1d4: {  	[hbm4b:s9+s6] =	stream.indirect_vreg.scatter [tilespmem:s29], [sflag:$0x2], $0x80, v10, vm1, $0xb8;
	[tilespmem:$0x1D100] =	vst v63  }
0x1d5: {  	p0 =	sne.s32 s4, $0x1;
	_ =	swait.ge [sflag:s18], $0x8000  }
.Ltmp7:
0x1d6: {  	[sflag:s18] =	ssyncset.done $0x0;
	(pc) =	sbr.rel @p0 .LBB2_11-.Ltmp7, $4  }
0x1d7: {  	[sflag:s18] =	ssyncadd.s32 $0xFFFF8000  }
0x1d8: {  	_ =	swait.ge [sflag:s31], $0x8000  }
0x1d9: {  	s4 =	sadd.s32 $0xFFFFFFFF, s4;
	[sflag:s31] =	ssyncset.done $0x0  }
0x1da: {  	s1 =	sadd.s32 $0x100, s1;
	s0 =	sadd.s32 $0x100, s0;
	[sflag:s31] =	ssyncadd.s32 $0xFFFF8000  }
.Ltmp8:
0x1db: {  	_ = 	snop;
	(pc) =	sbr.rel .LBB2_12-.Ltmp8, $1  }
0x1dc: {  	_ =	sdelay $0x3  }
.LBB2_13:
0x1dd: {  	_ =	sfence.sel $0x180000  }
0x1de: {  	[bflag:$0x0] =	sbarrier.arrive $0xFFFF  }
0x1df: {  	_ =	strace $0x9000004A  }
0x1e0: {  	s0 =	stileid.u32;
	[bflag:$0x2] =	sbarrier.arrive $0xFFFF  }
0x1e1: {  	p0 =	sne.s32 s0, $0x0;
	s0 =	rddreg [dreg:$0x5]  }
0x1e2: {  	s0 =	sadd.s32 @!p0 $0x100000, s0  }
0x1e3: {  	[sflag:s0] =	ssyncadd.tile.s32 @!p0 $0x1;
	_ =	shalt  }
.Lfunc_end2:
_tile_overlayer_lowered:
.L_overlay_start_2:
0x1e4: {  	(tag) =	ssettag $0x2  }
0x1e5: {  	s0 =	rddreg [dreg:$0x0];
	s2 =	stileid.u32  }
0x1e6: {  	s1 =	rddreg [dreg:$0x1];
	p0 =	sne.s32 s2, $0x0  }
0x1e7: {  	s3 =	rddreg [dreg:$0x2];
	[bflag:$0x3] =	sbarrier.arrive $0xFFFF;
	s2 =	simm.s32 @!p0 $0x1C03  }
0x1e8: {  	[timem:s3], [sflag:s2] =	dma.local @!p0 [hbm:s0], s1  }
0x1e9: {  	s0 =	simm.s32 @!p0 $0x3  }
0x1ea: {  	_ =	swait.ge @!p0 [sflag:s0], s1  }
0x1eb: {  	s1 =	ssub.s32 @!p0 $0x0, s1;
	[sflag:s0] =	ssyncset.done @!p0 $0x0  }
0x1ec: {  	[sflag:s0] =	ssyncadd.s32 @!p0 s1  }
0x1ed: {  	[bflag:$0x3] =	sbarrier.arrive $0xFFFF  }
0x1ee: {  	_ =	shalt  }

</sc_bundles>
